<compile_context>
chip_gen: v7x
topology: tpu7x:2x2x1
jax: 0.10.2.dev20260603
libtpu: 0.0.44.dev20260713+nightly
codegen_flags: <defaults>
</compile_context>

<pallas_src>
import functools

import jax
import jax.numpy as jnp
from jax import lax
from jax.experimental import pallas as pl
from jax.experimental.pallas import tpu as pltpu
from jax.experimental.pallas import tpu_sc as plsc

_NC = 2
_NS = 16
_L = 16
_NW = _NC * _NS

_BS, _N, _D = 16, 128, 64
_ROWS = _BS * _N
_RPW = _ROWS // _NW
_T = 8


def _sc_body(msg_hbm, mm_hbm, out_hbm, t_v, mm_v, accs_v, idx_v, sem, osem):
    wid = lax.axis_index("s") * _NC + lax.axis_index("c")
    base = wid * _RPW
    b = base >> 7
    i0 = pl.multiple_of(base & (_N - 1), _RPW)

    stride = _N * _D + 1

    step = lax.iota(jnp.int32, _L) * stride

    def fire_body(g, carry):
        for sub in range(_T):
            c0 = (base * _D + g * _T + sub) * _N + i0
            for c in range(_RPW // _L):
                idx_v[g, pl.ds(sub * _RPW + c * _L, _L)] = (
                    c0 + c * _L * stride + step
                )
        for sub in range(_T):
            pltpu.make_async_copy(
                msg_hbm.at[idx_v.at[g, pl.ds(sub * _RPW, _RPW)]],
                t_v.at[g, sub],
                sem,
            ).start()
        return carry

    lax.fori_loop(0, _T, fire_body, 0)

    pltpu.sync_copy(mm_hbm.at[b, pl.ds(i0 // _T, _T)], mm_v)

    def row_body(k, carry):
        acc = mm_v[k // _T, k % _T, pl.ds(0, _L)]
        for c in range(1, _N // _L):
            acc = acc + mm_v[k // _T, k % _T, pl.ds(c * _L, _L)]
        accs_v[k, :] = acc
        return carry

    lax.fori_loop(0, _RPW, row_body, 0)

    rows16 = lax.iota(jnp.int32, _L)
    masks = []
    for c in range(_RPW // _L):
        ridx = c * _L + rows16
        s = plsc.load_gather(accs_v, [ridx, jnp.zeros((_L,), jnp.int32)])
        for l in range(1, _L):
            s = s + plsc.load_gather(
                accs_v, [ridx, jnp.full((_L,), l, jnp.int32)]
            )
        masks.append(
            jnp.where(s != 0.0, jnp.float32(1.0), jnp.float32(0.0))
        )

    def drain_body(g, carry):
        for sub in range(_T):
            pltpu.make_async_copy(
                msg_hbm.at[idx_v.at[g, pl.ds(sub * _RPW, _RPW)]],
                t_v.at[g, sub],
                sem,
            ).wait()
        for sub in range(_T):
            for c in range(_RPW // _L):
                t_v[g, sub, pl.ds(c * _L, _L)] = (
                    t_v[g, sub, pl.ds(c * _L, _L)] * masks[c]
                )
        pltpu.make_async_copy(
            t_v.at[g], out_hbm.at[b, g, :, pl.ds(i0, _RPW)], osem
        ).start()
        return carry

    lax.fori_loop(0, _T, drain_body, 0)

    def flush_body(g, carry):
        pltpu.make_async_copy(
            t_v.at[g], out_hbm.at[b, g, :, pl.ds(i0, _RPW)], osem
        ).wait()
        return carry

    lax.fori_loop(0, _T, flush_body, 0)


@functools.cache
def _sc_call():
    return pl.kernel(
        _sc_body,
        out_type=jax.ShapeDtypeStruct((_BS, _T, _T, _N), jnp.float32),
        mesh=plsc.VectorSubcoreMesh(
            core_axis_name="c", subcore_axis_name="s",
            num_cores=_NC, num_subcores=_NS,
        ),
        scratch_types=[
            pltpu.VMEM((_T, _T, _RPW), jnp.float32),
            pltpu.VMEM((_T, _T, _N), jnp.float32),
            pltpu.VMEM((_RPW, _L), jnp.float32),
            pltpu.VMEM((_T, _T * _RPW), jnp.int32),
            pltpu.SemaphoreType.DMA,
            pltpu.SemaphoreType.DMA,
        ],
        compiler_params=pltpu.CompilerParams(
            use_tc_tiling_on_sc=False,
            needs_layout_passes=False,
            disable_bounds_checks=True,
            skip_device_barrier=True,
        ),
    )


@jax.jit
def kernel(msg, msg_matrix):
    bs, n, _, d = msg.shape
    msg_flat = jnp.transpose(msg, (0, 1, 3, 2)).reshape(-1)
    mm4 = msg_matrix.reshape(bs, n // _T, _T, n)
    out5 = _sc_call()(msg_flat, mm4)
    return jnp.transpose(out5.reshape(bs, d, n), (0, 2, 1))

# --- scband reference (transcript-rebuilt; emitter-appended) ---
"""Pipeline reference for scband-leader-message-encoder-81784767251100 (READ-ONLY COPY).

The authoritative reference and input builder live on the scoring server;
editing this copy changes nothing except your own understanding.
"""

import jax, jax.numpy as jnp
import numpy as np


def setup_inputs(seed: int = 0) -> dict:
    key = jax.random.key(seed)
    k1, k2 = jax.random.split(key)
    msg = jax.random.normal(k1, (16, 128, 128, 64), dtype=jnp.float32)
    msg_matrix = jax.random.randint(k2, (16, 128, 128), 0, 2).astype(jnp.float32)
    return {"msg": msg, "msg_matrix": msg_matrix}


def reference(msg, msg_matrix):
    bs, n, _, msg_d = msg.shape
    # gather diagonal messages: out[b, i, 0, d] = msg[b, i, i, d]
    msg_ind = jnp.broadcast_to(jnp.arange(n).reshape(1, n, 1, 1), (bs, n, 1, msg_d))
    header_msg = jnp.take_along_axis(msg, msg_ind, axis=2).squeeze(2)
    num_msg = jnp.sum(msg_matrix, axis=2)
    is_header = num_msg != 0
    header_msg = jnp.where(is_header[:, :, None], header_msg, 0.0)
    return header_msg

if __name__ == "__main__":
    import jax
    _d = setup_inputs()
    print(jax.jit(kernel)(*tuple(_d.values())))

</pallas_src>

<mosaic_0001>
#map = affine_map<(d0, d1) -> (0)>
#map1 = affine_map<(d0, d1) -> (0, 0, 0, 0)>
module attributes {stable_mosaic.version = 14 : i64} {
  func.func @_sc_body(%arg0: i32, %arg1: i32, %arg2: memref<16777216xf32, #tpu.memory_space<hbm>>, %arg3: memref<16x16x8x128xf32, #tpu.memory_space<hbm>>, %arg4: memref<16x8x8x128xf32, #tpu.memory_space<hbm>>, %arg5: memref<8x8x64xf32, #tpu.memory_space<vmem>>, %arg6: memref<8x8x128xf32, #tpu.memory_space<vmem>>, %arg7: memref<64x16xf32, #tpu.memory_space<vmem>>, %arg8: memref<8x512xi32, #tpu.memory_space<vmem>>, %arg9: memref<!tpu.dma_semaphore, #tpu.memory_space<semaphore_mem>>, %arg10: memref<!tpu.dma_semaphore, #tpu.memory_space<semaphore_mem>>) attributes {dimension_semantics = [#tpu.dimension_semantics<core_parallel>, #tpu.dimension_semantics<subcore_parallel>], iteration_bounds = array<i64: 2, 16>, scalar_prefetch = 0 : i64, scratch_operands = 6 : i64, tpu.core_type = #tpu.core_type<sc_vector_subcore>, window_params = [{transform_indices = #map}, {transform_indices = #map1}, {transform_indices = #map1}]} {
    %mul3A = arith.constant 2 : i32
    %mul3A_0 = arith.muli %arg1, %mul3A : i32
    %add3A = arith.addi %mul3A_0, %arg0 : i32
    %mul3A_1 = arith.constant 64 : i32
    %mul3A_2 = arith.muli %add3A, %mul3A_1 : i32
    %shift_right_arithmetic3A = arith.constant 7 : i32
    %shift_right_arithmetic3A_3 = arith.shrsi %mul3A_2, %shift_right_arithmetic3A : i32
    %and3A = arith.constant 127 : i32
    %and3A_4 = arith.andi %mul3A_2, %and3A : i32
    %multiple_of3A = tpu.assume_multiple %and3A_4, 64 : i32
    %iota3A = tpu.iota {dimensions = array<i32: 0>} : vector<16xi32>
    %mul3A_5 = arith.constant 8193 : i32
    %mul3A_6 = vector.broadcast %mul3A_5 : i32 to vector<16xi32>
    %mul3A_7 = arith.muli %iota3A, %mul3A_6 : vector<16xi32>
    %scan3A = arith.constant 0 : i32
    %scan3A_8 = arith.constant 0 : i32
    %scan3A_9 = arith.constant 8 : i32
    %scan3A_10 = arith.addi %scan3A_8, %scan3A_9 : i32
    %scan3A_11 = arith.constant 1 : i32
    scf.for %scan3A_343 = %scan3A_8 to %scan3A_10 step %scan3A_11  : i32 {
      %mul3A_344 = arith.constant 64 : i32
      %mul3A_345 = arith.muli %mul3A_2, %mul3A_344 : i32
      %mul3A_346 = arith.constant 8 : i32
      %mul3A_347 = arith.muli %scan3A_343, %mul3A_346 : i32
      %add3A_348 = arith.addi %mul3A_345, %mul3A_347 : i32
      %add3A_349 = arith.constant 0 : i32
      %add3A_350 = arith.addi %add3A_348, %add3A_349 : i32
      %mul3A_351 = arith.constant 128 : i32
      %mul3A_352 = arith.muli %add3A_350, %mul3A_351 : i32
      %add3A_353 = arith.addi %mul3A_352, %multiple_of3A : i32
      %add3A_354 = arith.constant 0 : i32
      %add3A_355 = arith.addi %add3A_353, %add3A_354 : i32
      %add3A_356 = vector.broadcast %add3A_355 : i32 to vector<16xi32>
      %add3A_357 = arith.addi %add3A_356, %mul3A_7 : vector<16xi32>
      %swap3A = arith.index_cast %scan3A_343 : i32 to index
      %swap3A_358 = arith.constant 0 : index
      %swap3A_359 = tpu.vector_load %arg8[%swap3A, %swap3A_358] {strides = array<i32>} : memref<8x512xi32, #tpu.memory_space<vmem>>, vector<16xi32>,
      tpu.vector_store %arg8[%swap3A, %swap3A_358], %add3A_357 {strides = array<i32>} : memref<8x512xi32, #tpu.memory_space<vmem>>, vector<16xi32>,
      %add3A_360 = arith.constant 131088 : i32
      %add3A_361 = arith.addi %add3A_353, %add3A_360 : i32
      %add3A_362 = vector.broadcast %add3A_361 : i32 to vector<16xi32>
      %add3A_363 = arith.addi %add3A_362, %mul3A_7 : vector<16xi32>
      %swap3A_364 = arith.index_cast %scan3A_343 : i32 to index
      %swap3A_365 = arith.constant 16 : index
      %swap3A_366 = tpu.vector_load %arg8[%swap3A_364, %swap3A_365] {strides = array<i32>} : memref<8x512xi32, #tpu.memory_space<vmem>>, vector<16xi32>,
      tpu.vector_store %arg8[%swap3A_364, %swap3A_365], %add3A_363 {strides = array<i32>} : memref<8x512xi32, #tpu.memory_space<vmem>>, vector<16xi32>,
      %add3A_367 = arith.constant 262176 : i32
      %add3A_368 = arith.addi %add3A_353, %add3A_367 : i32
      %add3A_369 = vector.broadcast %add3A_368 : i32 to vector<16xi32>
      %add3A_370 = arith.addi %add3A_369, %mul3A_7 : vector<16xi32>
      %swap3A_371 = arith.index_cast %scan3A_343 : i32 to index
      %swap3A_372 = arith.constant 32 : index
      %swap3A_373 = tpu.vector_load %arg8[%swap3A_371, %swap3A_372] {strides = array<i32>} : memref<8x512xi32, #tpu.memory_space<vmem>>, vector<16xi32>,
      tpu.vector_store %arg8[%swap3A_371, %swap3A_372], %add3A_370 {strides = array<i32>} : memref<8x512xi32, #tpu.memory_space<vmem>>, vector<16xi32>,
      %add3A_374 = arith.constant 393264 : i32
      %add3A_375 = arith.addi %add3A_353, %add3A_374 : i32
      %add3A_376 = vector.broadcast %add3A_375 : i32 to vector<16xi32>
      %add3A_377 = arith.addi %add3A_376, %mul3A_7 : vector<16xi32>
      %swap3A_378 = arith.index_cast %scan3A_343 : i32 to index
      %swap3A_379 = arith.constant 48 : index
      %swap3A_380 = tpu.vector_load %arg8[%swap3A_378, %swap3A_379] {strides = array<i32>} : memref<8x512xi32, #tpu.memory_space<vmem>>, vector<16xi32>,
      tpu.vector_store %arg8[%swap3A_378, %swap3A_379], %add3A_377 {strides = array<i32>} : memref<8x512xi32, #tpu.memory_space<vmem>>, vector<16xi32>,
      %mul3A_381 = arith.constant 64 : i32
      %mul3A_382 = arith.muli %mul3A_2, %mul3A_381 : i32
      %mul3A_383 = arith.constant 8 : i32
      %mul3A_384 = arith.muli %scan3A_343, %mul3A_383 : i32
      %add3A_385 = arith.addi %mul3A_382, %mul3A_384 : i32
      %add3A_386 = arith.constant 1 : i32
      %add3A_387 = arith.addi %add3A_385, %add3A_386 : i32
      %mul3A_388 = arith.constant 128 : i32
      %mul3A_389 = arith.muli %add3A_387, %mul3A_388 : i32
      %add3A_390 = arith.addi %mul3A_389, %multiple_of3A : i32
      %add3A_391 = arith.constant 0 : i32
      %add3A_392 = arith.addi %add3A_390, %add3A_391 : i32
      %add3A_393 = vector.broadcast %add3A_392 : i32 to vector<16xi32>
      %add3A_394 = arith.addi %add3A_393, %mul3A_7 : vector<16xi32>
      %swap3A_395 = arith.index_cast %scan3A_343 : i32 to index
      %swap3A_396 = arith.constant 64 : index
      %swap3A_397 = tpu.vector_load %arg8[%swap3A_395, %swap3A_396] {strides = array<i32>} : memref<8x512xi32, #tpu.memory_space<vmem>>, vector<16xi32>,
      tpu.vector_store %arg8[%swap3A_395, %swap3A_396], %add3A_394 {strides = array<i32>} : memref<8x512xi32, #tpu.memory_space<vmem>>, vector<16xi32>,
      %add3A_398 = arith.constant 131088 : i32
      %add3A_399 = arith.addi %add3A_390, %add3A_398 : i32
      %add3A_400 = vector.broadcast %add3A_399 : i32 to vector<16xi32>
      %add3A_401 = arith.addi %add3A_400, %mul3A_7 : vector<16xi32>
      %swap3A_402 = arith.index_cast %scan3A_343 : i32 to index
      %swap3A_403 = arith.constant 80 : index
      %swap3A_404 = tpu.vector_load %arg8[%swap3A_402, %swap3A_403] {strides = array<i32>} : memref<8x512xi32, #tpu.memory_space<vmem>>, vector<16xi32>,
      tpu.vector_store %arg8[%swap3A_402, %swap3A_403], %add3A_401 {strides = array<i32>} : memref<8x512xi32, #tpu.memory_space<vmem>>, vector<16xi32>,
      %add3A_405 = arith.constant 262176 : i32
      %add3A_406 = arith.addi %add3A_390, %add3A_405 : i32
      %add3A_407 = vector.broadcast %add3A_406 : i32 to vector<16xi32>
      %add3A_408 = arith.addi %add3A_407, %mul3A_7 : vector<16xi32>
      %swap3A_409 = arith.index_cast %scan3A_343 : i32 to index
      %swap3A_410 = arith.constant 96 : index
      %swap3A_411 = tpu.vector_load %arg8[%swap3A_409, %swap3A_410] {strides = array<i32>} : memref<8x512xi32, #tpu.memory_space<vmem>>, vector<16xi32>,
      tpu.vector_store %arg8[%swap3A_409, %swap3A_410], %add3A_408 {strides = array<i32>} : memref<8x512xi32, #tpu.memory_space<vmem>>, vector<16xi32>,
      %add3A_412 = arith.constant 393264 : i32
      %add3A_413 = arith.addi %add3A_390, %add3A_412 : i32
      %add3A_414 = vector.broadcast %add3A_413 : i32 to vector<16xi32>
      %add3A_415 = arith.addi %add3A_414, %mul3A_7 : vector<16xi32>
      %swap3A_416 = arith.index_cast %scan3A_343 : i32 to index
      %swap3A_417 = arith.constant 112 : index
      %swap3A_418 = tpu.vector_load %arg8[%swap3A_416, %swap3A_417] {strides = array<i32>} : memref<8x512xi32, #tpu.memory_space<vmem>>, vector<16xi32>,
      tpu.vector_store %arg8[%swap3A_416, %swap3A_417], %add3A_415 {strides = array<i32>} : memref<8x512xi32, #tpu.memory_space<vmem>>, vector<16xi32>,
      %mul3A_419 = arith.constant 64 : i32
      %mul3A_420 = arith.muli %mul3A_2, %mul3A_419 : i32
      %mul3A_421 = arith.constant 8 : i32
      %mul3A_422 = arith.muli %scan3A_343, %mul3A_421 : i32
      %add3A_423 = arith.addi %mul3A_420, %mul3A_422 : i32
      %add3A_424 = arith.constant 2 : i32
      %add3A_425 = arith.addi %add3A_423, %add3A_424 : i32
      %mul3A_426 = arith.constant 128 : i32
      %mul3A_427 = arith.muli %add3A_425, %mul3A_426 : i32
      %add3A_428 = arith.addi %mul3A_427, %multiple_of3A : i32
      %add3A_429 = arith.constant 0 : i32
      %add3A_430 = arith.addi %add3A_428, %add3A_429 : i32
      %add3A_431 = vector.broadcast %add3A_430 : i32 to vector<16xi32>
      %add3A_432 = arith.addi %add3A_431, %mul3A_7 : vector<16xi32>
      %swap3A_433 = arith.index_cast %scan3A_343 : i32 to index
      %swap3A_434 = arith.constant 128 : index
      %swap3A_435 = tpu.vector_load %arg8[%swap3A_433, %swap3A_434] {strides = array<i32>} : memref<8x512xi32, #tpu.memory_space<vmem>>, vector<16xi32>,
      tpu.vector_store %arg8[%swap3A_433, %swap3A_434], %add3A_432 {strides = array<i32>} : memref<8x512xi32, #tpu.memory_space<vmem>>, vector<16xi32>,
      %add3A_436 = arith.constant 131088 : i32
      %add3A_437 = arith.addi %add3A_428, %add3A_436 : i32
      %add3A_438 = vector.broadcast %add3A_437 : i32 to vector<16xi32>
      %add3A_439 = arith.addi %add3A_438, %mul3A_7 : vector<16xi32>
      %swap3A_440 = arith.index_cast %scan3A_343 : i32 to index
      %swap3A_441 = arith.constant 144 : index
      %swap3A_442 = tpu.vector_load %arg8[%swap3A_440, %swap3A_441] {strides = array<i32>} : memref<8x512xi32, #tpu.memory_space<vmem>>, vector<16xi32>,
      tpu.vector_store %arg8[%swap3A_440, %swap3A_441], %add3A_439 {strides = array<i32>} : memref<8x512xi32, #tpu.memory_space<vmem>>, vector<16xi32>,
      %add3A_443 = arith.constant 262176 : i32
      %add3A_444 = arith.addi %add3A_428, %add3A_443 : i32
      %add3A_445 = vector.broadcast %add3A_444 : i32 to vector<16xi32>
      %add3A_446 = arith.addi %add3A_445, %mul3A_7 : vector<16xi32>
      %swap3A_447 = arith.index_cast %scan3A_343 : i32 to index
      %swap3A_448 = arith.constant 160 : index
      %swap3A_449 = tpu.vector_load %arg8[%swap3A_447, %swap3A_448] {strides = array<i32>} : memref<8x512xi32, #tpu.memory_space<vmem>>, vector<16xi32>,
      tpu.vector_store %arg8[%swap3A_447, %swap3A_448], %add3A_446 {strides = array<i32>} : memref<8x512xi32, #tpu.memory_space<vmem>>, vector<16xi32>,
      %add3A_450 = arith.constant 393264 : i32
      %add3A_451 = arith.addi %add3A_428, %add3A_450 : i32
      %add3A_452 = vector.broadcast %add3A_451 : i32 to vector<16xi32>
      %add3A_453 = arith.addi %add3A_452, %mul3A_7 : vector<16xi32>
      %swap3A_454 = arith.index_cast %scan3A_343 : i32 to index
      %swap3A_455 = arith.constant 176 : index
      %swap3A_456 = tpu.vector_load %arg8[%swap3A_454, %swap3A_455] {strides = array<i32>} : memref<8x512xi32, #tpu.memory_space<vmem>>, vector<16xi32>,
      tpu.vector_store %arg8[%swap3A_454, %swap3A_455], %add3A_453 {strides = array<i32>} : memref<8x512xi32, #tpu.memory_space<vmem>>, vector<16xi32>,
      %mul3A_457 = arith.constant 64 : i32
      %mul3A_458 = arith.muli %mul3A_2, %mul3A_457 : i32
      %mul3A_459 = arith.constant 8 : i32
      %mul3A_460 = arith.muli %scan3A_343, %mul3A_459 : i32
      %add3A_461 = arith.addi %mul3A_458, %mul3A_460 : i32
      %add3A_462 = arith.constant 3 : i32
      %add3A_463 = arith.addi %add3A_461, %add3A_462 : i32
      %mul3A_464 = arith.constant 128 : i32
      %mul3A_465 = arith.muli %add3A_463, %mul3A_464 : i32
      %add3A_466 = arith.addi %mul3A_465, %multiple_of3A : i32
      %add3A_467 = arith.constant 0 : i32
      %add3A_468 = arith.addi %add3A_466, %add3A_467 : i32
      %add3A_469 = vector.broadcast %add3A_468 : i32 to vector<16xi32>
      %add3A_470 = arith.addi %add3A_469, %mul3A_7 : vector<16xi32>
      %swap3A_471 = arith.index_cast %scan3A_343 : i32 to index
      %swap3A_472 = arith.constant 192 : index
      %swap3A_473 = tpu.vector_load %arg8[%swap3A_471, %swap3A_472] {strides = array<i32>} : memref<8x512xi32, #tpu.memory_space<vmem>>, vector<16xi32>,
      tpu.vector_store %arg8[%swap3A_471, %swap3A_472], %add3A_470 {strides = array<i32>} : memref<8x512xi32, #tpu.memory_space<vmem>>, vector<16xi32>,
      %add3A_474 = arith.constant 131088 : i32
      %add3A_475 = arith.addi %add3A_466, %add3A_474 : i32
      %add3A_476 = vector.broadcast %add3A_475 : i32 to vector<16xi32>
      %add3A_477 = arith.addi %add3A_476, %mul3A_7 : vector<16xi32>
      %swap3A_478 = arith.index_cast %scan3A_343 : i32 to index
      %swap3A_479 = arith.constant 208 : index
      %swap3A_480 = tpu.vector_load %arg8[%swap3A_478, %swap3A_479] {strides = array<i32>} : memref<8x512xi32, #tpu.memory_space<vmem>>, vector<16xi32>,
      tpu.vector_store %arg8[%swap3A_478, %swap3A_479], %add3A_477 {strides = array<i32>} : memref<8x512xi32, #tpu.memory_space<vmem>>, vector<16xi32>,
      %add3A_481 = arith.constant 262176 : i32
      %add3A_482 = arith.addi %add3A_466, %add3A_481 : i32
      %add3A_483 = vector.broadcast %add3A_482 : i32 to vector<16xi32>
      %add3A_484 = arith.addi %add3A_483, %mul3A_7 : vector<16xi32>
      %swap3A_485 = arith.index_cast %scan3A_343 : i32 to index
      %swap3A_486 = arith.constant 224 : index
      %swap3A_487 = tpu.vector_load %arg8[%swap3A_485, %swap3A_486] {strides = array<i32>} : memref<8x512xi32, #tpu.memory_space<vmem>>, vector<16xi32>,
      tpu.vector_store %arg8[%swap3A_485, %swap3A_486], %add3A_484 {strides = array<i32>} : memref<8x512xi32, #tpu.memory_space<vmem>>, vector<16xi32>,
      %add3A_488 = arith.constant 393264 : i32
      %add3A_489 = arith.addi %add3A_466, %add3A_488 : i32
      %add3A_490 = vector.broadcast %add3A_489 : i32 to vector<16xi32>
      %add3A_491 = arith.addi %add3A_490, %mul3A_7 : vector<16xi32>
      %swap3A_492 = arith.index_cast %scan3A_343 : i32 to index
      %swap3A_493 = arith.constant 240 : index
      %swap3A_494 = tpu.vector_load %arg8[%swap3A_492, %swap3A_493] {strides = array<i32>} : memref<8x512xi32, #tpu.memory_space<vmem>>, vector<16xi32>,
      tpu.vector_store %arg8[%swap3A_492, %swap3A_493], %add3A_491 {strides = array<i32>} : memref<8x512xi32, #tpu.memory_space<vmem>>, vector<16xi32>,
      %mul3A_495 = arith.constant 64 : i32
      %mul3A_496 = arith.muli %mul3A_2, %mul3A_495 : i32
      %mul3A_497 = arith.constant 8 : i32
      %mul3A_498 = arith.muli %scan3A_343, %mul3A_497 : i32
      %add3A_499 = arith.addi %mul3A_496, %mul3A_498 : i32
      %add3A_500 = arith.constant 4 : i32
      %add3A_501 = arith.addi %add3A_499, %add3A_500 : i32
      %mul3A_502 = arith.constant 128 : i32
      %mul3A_503 = arith.muli %add3A_501, %mul3A_502 : i32
      %add3A_504 = arith.addi %mul3A_503, %multiple_of3A : i32
      %add3A_505 = arith.constant 0 : i32
      %add3A_506 = arith.addi %add3A_504, %add3A_505 : i32
      %add3A_507 = vector.broadcast %add3A_506 : i32 to vector<16xi32>
      %add3A_508 = arith.addi %add3A_507, %mul3A_7 : vector<16xi32>
      %swap3A_509 = arith.index_cast %scan3A_343 : i32 to index
      %swap3A_510 = arith.constant 256 : index
      %swap3A_511 = tpu.vector_load %arg8[%swap3A_509, %swap3A_510] {strides = array<i32>} : memref<8x512xi32, #tpu.memory_space<vmem>>, vector<16xi32>,
      tpu.vector_store %arg8[%swap3A_509, %swap3A_510], %add3A_508 {strides = array<i32>} : memref<8x512xi32, #tpu.memory_space<vmem>>, vector<16xi32>,
      %add3A_512 = arith.constant 131088 : i32
      %add3A_513 = arith.addi %add3A_504, %add3A_512 : i32
      %add3A_514 = vector.broadcast %add3A_513 : i32 to vector<16xi32>
      %add3A_515 = arith.addi %add3A_514, %mul3A_7 : vector<16xi32>
      %swap3A_516 = arith.index_cast %scan3A_343 : i32 to index
      %swap3A_517 = arith.constant 272 : index
      %swap3A_518 = tpu.vector_load %arg8[%swap3A_516, %swap3A_517] {strides = array<i32>} : memref<8x512xi32, #tpu.memory_space<vmem>>, vector<16xi32>,
      tpu.vector_store %arg8[%swap3A_516, %swap3A_517], %add3A_515 {strides = array<i32>} : memref<8x512xi32, #tpu.memory_space<vmem>>, vector<16xi32>,
      %add3A_519 = arith.constant 262176 : i32
      %add3A_520 = arith.addi %add3A_504, %add3A_519 : i32
      %add3A_521 = vector.broadcast %add3A_520 : i32 to vector<16xi32>
      %add3A_522 = arith.addi %add3A_521, %mul3A_7 : vector<16xi32>
      %swap3A_523 = arith.index_cast %scan3A_343 : i32 to index
      %swap3A_524 = arith.constant 288 : index
      %swap3A_525 = tpu.vector_load %arg8[%swap3A_523, %swap3A_524] {strides = array<i32>} : memref<8x512xi32, #tpu.memory_space<vmem>>, vector<16xi32>,
      tpu.vector_store %arg8[%swap3A_523, %swap3A_524], %add3A_522 {strides = array<i32>} : memref<8x512xi32, #tpu.memory_space<vmem>>, vector<16xi32>,
      %add3A_526 = arith.constant 393264 : i32
      %add3A_527 = arith.addi %add3A_504, %add3A_526 : i32
      %add3A_528 = vector.broadcast %add3A_527 : i32 to vector<16xi32>
      %add3A_529 = arith.addi %add3A_528, %mul3A_7 : vector<16xi32>
      %swap3A_530 = arith.index_cast %scan3A_343 : i32 to index
      %swap3A_531 = arith.constant 304 : index
      %swap3A_532 = tpu.vector_load %arg8[%swap3A_530, %swap3A_531] {strides = array<i32>} : memref<8x512xi32, #tpu.memory_space<vmem>>, vector<16xi32>,
      tpu.vector_store %arg8[%swap3A_530, %swap3A_531], %add3A_529 {strides = array<i32>} : memref<8x512xi32, #tpu.memory_space<vmem>>, vector<16xi32>,
      %mul3A_533 = arith.constant 64 : i32
      %mul3A_534 = arith.muli %mul3A_2, %mul3A_533 : i32
      %mul3A_535 = arith.constant 8 : i32
      %mul3A_536 = arith.muli %scan3A_343, %mul3A_535 : i32
      %add3A_537 = arith.addi %mul3A_534, %mul3A_536 : i32
      %add3A_538 = arith.constant 5 : i32
      %add3A_539 = arith.addi %add3A_537, %add3A_538 : i32
      %mul3A_540 = arith.constant 128 : i32
      %mul3A_541 = arith.muli %add3A_539, %mul3A_540 : i32
      %add3A_542 = arith.addi %mul3A_541, %multiple_of3A : i32
      %add3A_543 = arith.constant 0 : i32
      %add3A_544 = arith.addi %add3A_542, %add3A_543 : i32
      %add3A_545 = vector.broadcast %add3A_544 : i32 to vector<16xi32>
      %add3A_546 = arith.addi %add3A_545, %mul3A_7 : vector<16xi32>
      %swap3A_547 = arith.index_cast %scan3A_343 : i32 to index
      %swap3A_548 = arith.constant 320 : index
      %swap3A_549 = tpu.vector_load %arg8[%swap3A_547, %swap3A_548] {strides = array<i32>} : memref<8x512xi32, #tpu.memory_space<vmem>>, vector<16xi32>,
      tpu.vector_store %arg8[%swap3A_547, %swap3A_548], %add3A_546 {strides = array<i32>} : memref<8x512xi32, #tpu.memory_space<vmem>>, vector<16xi32>,
      %add3A_550 = arith.constant 131088 : i32
      %add3A_551 = arith.addi %add3A_542, %add3A_550 : i32
      %add3A_552 = vector.broadcast %add3A_551 : i32 to vector<16xi32>
      %add3A_553 = arith.addi %add3A_552, %mul3A_7 : vector<16xi32>
      %swap3A_554 = arith.index_cast %scan3A_343 : i32 to index
      %swap3A_555 = arith.constant 336 : index
      %swap3A_556 = tpu.vector_load %arg8[%swap3A_554, %swap3A_555] {strides = array<i32>} : memref<8x512xi32, #tpu.memory_space<vmem>>, vector<16xi32>,
      tpu.vector_store %arg8[%swap3A_554, %swap3A_555], %add3A_553 {strides = array<i32>} : memref<8x512xi32, #tpu.memory_space<vmem>>, vector<16xi32>,
      %add3A_557 = arith.constant 262176 : i32
      %add3A_558 = arith.addi %add3A_542, %add3A_557 : i32
      %add3A_559 = vector.broadcast %add3A_558 : i32 to vector<16xi32>
      %add3A_560 = arith.addi %add3A_559, %mul3A_7 : vector<16xi32>
      %swap3A_561 = arith.index_cast %scan3A_343 : i32 to index
      %swap3A_562 = arith.constant 352 : index
      %swap3A_563 = tpu.vector_load %arg8[%swap3A_561, %swap3A_562] {strides = array<i32>} : memref<8x512xi32, #tpu.memory_space<vmem>>, vector<16xi32>,
      tpu.vector_store %arg8[%swap3A_561, %swap3A_562], %add3A_560 {strides = array<i32>} : memref<8x512xi32, #tpu.memory_space<vmem>>, vector<16xi32>,
      %add3A_564 = arith.constant 393264 : i32
      %add3A_565 = arith.addi %add3A_542, %add3A_564 : i32
      %add3A_566 = vector.broadcast %add3A_565 : i32 to vector<16xi32>
      %add3A_567 = arith.addi %add3A_566, %mul3A_7 : vector<16xi32>
      %swap3A_568 = arith.index_cast %scan3A_343 : i32 to index
      %swap3A_569 = arith.constant 368 : index
      %swap3A_570 = tpu.vector_load %arg8[%swap3A_568, %swap3A_569] {strides = array<i32>} : memref<8x512xi32, #tpu.memory_space<vmem>>, vector<16xi32>,
      tpu.vector_store %arg8[%swap3A_568, %swap3A_569], %add3A_567 {strides = array<i32>} : memref<8x512xi32, #tpu.memory_space<vmem>>, vector<16xi32>,
      %mul3A_571 = arith.constant 64 : i32
      %mul3A_572 = arith.muli %mul3A_2, %mul3A_571 : i32
      %mul3A_573 = arith.constant 8 : i32
      %mul3A_574 = arith.muli %scan3A_343, %mul3A_573 : i32
      %add3A_575 = arith.addi %mul3A_572, %mul3A_574 : i32
      %add3A_576 = arith.constant 6 : i32
      %add3A_577 = arith.addi %add3A_575, %add3A_576 : i32
      %mul3A_578 = arith.constant 128 : i32
      %mul3A_579 = arith.muli %add3A_577, %mul3A_578 : i32
      %add3A_580 = arith.addi %mul3A_579, %multiple_of3A : i32
      %add3A_581 = arith.constant 0 : i32
      %add3A_582 = arith.addi %add3A_580, %add3A_581 : i32
      %add3A_583 = vector.broadcast %add3A_582 : i32 to vector<16xi32>
      %add3A_584 = arith.addi %add3A_583, %mul3A_7 : vector<16xi32>
      %swap3A_585 = arith.index_cast %scan3A_343 : i32 to index
      %swap3A_586 = arith.constant 384 : index
      %swap3A_587 = tpu.vector_load %arg8[%swap3A_585, %swap3A_586] {strides = array<i32>} : memref<8x512xi32, #tpu.memory_space<vmem>>, vector<16xi32>,
      tpu.vector_store %arg8[%swap3A_585, %swap3A_586], %add3A_584 {strides = array<i32>} : memref<8x512xi32, #tpu.memory_space<vmem>>, vector<16xi32>,
      %add3A_588 = arith.constant 131088 : i32
      %add3A_589 = arith.addi %add3A_580, %add3A_588 : i32
      %add3A_590 = vector.broadcast %add3A_589 : i32 to vector<16xi32>
      %add3A_591 = arith.addi %add3A_590, %mul3A_7 : vector<16xi32>
      %swap3A_592 = arith.index_cast %scan3A_343 : i32 to index
      %swap3A_593 = arith.constant 400 : index
      %swap3A_594 = tpu.vector_load %arg8[%swap3A_592, %swap3A_593] {strides = array<i32>} : memref<8x512xi32, #tpu.memory_space<vmem>>, vector<16xi32>,
      tpu.vector_store %arg8[%swap3A_592, %swap3A_593], %add3A_591 {strides = array<i32>} : memref<8x512xi32, #tpu.memory_space<vmem>>, vector<16xi32>,
      %add3A_595 = arith.constant 262176 : i32
      %add3A_596 = arith.addi %add3A_580, %add3A_595 : i32
      %add3A_597 = vector.broadcast %add3A_596 : i32 to vector<16xi32>
      %add3A_598 = arith.addi %add3A_597, %mul3A_7 : vector<16xi32>
      %swap3A_599 = arith.index_cast %scan3A_343 : i32 to index
      %swap3A_600 = arith.constant 416 : index
      %swap3A_601 = tpu.vector_load %arg8[%swap3A_599, %swap3A_600] {strides = array<i32>} : memref<8x512xi32, #tpu.memory_space<vmem>>, vector<16xi32>,
      tpu.vector_store %arg8[%swap3A_599, %swap3A_600], %add3A_598 {strides = array<i32>} : memref<8x512xi32, #tpu.memory_space<vmem>>, vector<16xi32>,
      %add3A_602 = arith.constant 393264 : i32
      %add3A_603 = arith.addi %add3A_580, %add3A_602 : i32
      %add3A_604 = vector.broadcast %add3A_603 : i32 to vector<16xi32>
      %add3A_605 = arith.addi %add3A_604, %mul3A_7 : vector<16xi32>
      %swap3A_606 = arith.index_cast %scan3A_343 : i32 to index
      %swap3A_607 = arith.constant 432 : index
      %swap3A_608 = tpu.vector_load %arg8[%swap3A_606, %swap3A_607] {strides = array<i32>} : memref<8x512xi32, #tpu.memory_space<vmem>>, vector<16xi32>,
      tpu.vector_store %arg8[%swap3A_606, %swap3A_607], %add3A_605 {strides = array<i32>} : memref<8x512xi32, #tpu.memory_space<vmem>>, vector<16xi32>,
      %mul3A_609 = arith.constant 64 : i32
      %mul3A_610 = arith.muli %mul3A_2, %mul3A_609 : i32
      %mul3A_611 = arith.constant 8 : i32
      %mul3A_612 = arith.muli %scan3A_343, %mul3A_611 : i32
      %add3A_613 = arith.addi %mul3A_610, %mul3A_612 : i32
      %add3A_614 = arith.constant 7 : i32
      %add3A_615 = arith.addi %add3A_613, %add3A_614 : i32
      %mul3A_616 = arith.constant 128 : i32
      %mul3A_617 = arith.muli %add3A_615, %mul3A_616 : i32
      %add3A_618 = arith.addi %mul3A_617, %multiple_of3A : i32
      %add3A_619 = arith.constant 0 : i32
      %add3A_620 = arith.addi %add3A_618, %add3A_619 : i32
      %add3A_621 = vector.broadcast %add3A_620 : i32 to vector<16xi32>
      %add3A_622 = arith.addi %add3A_621, %mul3A_7 : vector<16xi32>
      %swap3A_623 = arith.index_cast %scan3A_343 : i32 to index
      %swap3A_624 = arith.constant 448 : index
      %swap3A_625 = tpu.vector_load %arg8[%swap3A_623, %swap3A_624] {strides = array<i32>} : memref<8x512xi32, #tpu.memory_space<vmem>>, vector<16xi32>,
      tpu.vector_store %arg8[%swap3A_623, %swap3A_624], %add3A_622 {strides = array<i32>} : memref<8x512xi32, #tpu.memory_space<vmem>>, vector<16xi32>,
      %add3A_626 = arith.constant 131088 : i32
      %add3A_627 = arith.addi %add3A_618, %add3A_626 : i32
      %add3A_628 = vector.broadcast %add3A_627 : i32 to vector<16xi32>
      %add3A_629 = arith.addi %add3A_628, %mul3A_7 : vector<16xi32>
      %swap3A_630 = arith.index_cast %scan3A_343 : i32 to index
      %swap3A_631 = arith.constant 464 : index
      %swap3A_632 = tpu.vector_load %arg8[%swap3A_630, %swap3A_631] {strides = array<i32>} : memref<8x512xi32, #tpu.memory_space<vmem>>, vector<16xi32>,
      tpu.vector_store %arg8[%swap3A_630, %swap3A_631], %add3A_629 {strides = array<i32>} : memref<8x512xi32, #tpu.memory_space<vmem>>, vector<16xi32>,
      %add3A_633 = arith.constant 262176 : i32
      %add3A_634 = arith.addi %add3A_618, %add3A_633 : i32
      %add3A_635 = vector.broadcast %add3A_634 : i32 to vector<16xi32>
      %add3A_636 = arith.addi %add3A_635, %mul3A_7 : vector<16xi32>
      %swap3A_637 = arith.index_cast %scan3A_343 : i32 to index
      %swap3A_638 = arith.constant 480 : index
      %swap3A_639 = tpu.vector_load %arg8[%swap3A_637, %swap3A_638] {strides = array<i32>} : memref<8x512xi32, #tpu.memory_space<vmem>>, vector<16xi32>,
      tpu.vector_store %arg8[%swap3A_637, %swap3A_638], %add3A_636 {strides = array<i32>} : memref<8x512xi32, #tpu.memory_space<vmem>>, vector<16xi32>,
      %add3A_640 = arith.constant 393264 : i32
      %add3A_641 = arith.addi %add3A_618, %add3A_640 : i32
      %add3A_642 = vector.broadcast %add3A_641 : i32 to vector<16xi32>
      %add3A_643 = arith.addi %add3A_642, %mul3A_7 : vector<16xi32>
      %swap3A_644 = arith.index_cast %scan3A_343 : i32 to index
      %swap3A_645 = arith.constant 496 : index
      %swap3A_646 = tpu.vector_load %arg8[%swap3A_644, %swap3A_645] {strides = array<i32>} : memref<8x512xi32, #tpu.memory_space<vmem>>, vector<16xi32>,
      tpu.vector_store %arg8[%swap3A_644, %swap3A_645], %add3A_643 {strides = array<i32>} : memref<8x512xi32, #tpu.memory_space<vmem>>, vector<16xi32>,
      %dma_start3A = arith.constant 0 : i32
      %dma_start3A_647 = arith.constant 0 : i32
      %dma_start3A_648 = tpu.memref_slice %arg5[%scan3A_343, %dma_start3A, %dma_start3A_647] : memref<8x8x64xf32, #tpu.memory_space<vmem>> -> memref<1x1x64xf32, #tpu.memory_space<vmem>>
      %dma_start3A_649 = tpu.memref_squeeze %dma_start3A_648 : memref<1x1x64xf32, #tpu.memory_space<vmem>> -> memref<64xf32, #tpu.memory_space<vmem>>
      %dma_start3A_650 = arith.constant 0 : i32
      %dma_start3A_651 = tpu.memref_slice %arg8[%scan3A_343, %dma_start3A_650] : memref<8x512xi32, #tpu.memory_space<vmem>> -> memref<1x64xi32, #tpu.memory_space<vmem>>
      %dma_start3A_652 = tpu.memref_squeeze %dma_start3A_651 : memref<1x64xi32, #tpu.memory_space<vmem>> -> memref<64xi32, #tpu.memory_space<vmem>>
      %dma_start3A_653 = arith.constant 0 : i32
      %dma_start3A_654 = tpu.memref_slice %arg2[%dma_start3A_653] : memref<16777216xf32, #tpu.memory_space<hbm>> -> memref<16777216xf32, #tpu.memory_space<hbm>>
      tpu.enqueue_indirect_dma source(%dma_start3A_654 : memref<16777216xf32, #tpu.memory_space<hbm>>) target(%dma_start3A_649 : memref<64xf32, #tpu.memory_space<vmem>>) offsets(%dma_start3A_652 : memref<64xi32, #tpu.memory_space<vmem>>) semaphore(%arg9 : memref<!tpu.dma_semaphore, #tpu.memory_space<semaphore_mem>>)
      %dma_start3A_655 = arith.constant 1 : i32
      %dma_start3A_656 = arith.constant 0 : i32
      %dma_start3A_657 = tpu.memref_slice %arg5[%scan3A_343, %dma_start3A_655, %dma_start3A_656] : memref<8x8x64xf32, #tpu.memory_space<vmem>> -> memref<1x1x64xf32, #tpu.memory_space<vmem>>
      %dma_start3A_658 = tpu.memref_squeeze %dma_start3A_657 : memref<1x1x64xf32, #tpu.memory_space<vmem>> -> memref<64xf32, #tpu.memory_space<vmem>>
      %dma_start3A_659 = arith.constant 64 : i32
      %dma_start3A_660 = tpu.memref_slice %arg8[%scan3A_343, %dma_start3A_659] : memref<8x512xi32, #tpu.memory_space<vmem>> -> memref<1x64xi32, #tpu.memory_space<vmem>>
      %dma_start3A_661 = tpu.memref_squeeze %dma_start3A_660 : memref<1x64xi32, #tpu.memory_space<vmem>> -> memref<64xi32, #tpu.memory_space<vmem>>
      %dma_start3A_662 = arith.constant 0 : i32
      %dma_start3A_663 = tpu.memref_slice %arg2[%dma_start3A_662] : memref<16777216xf32, #tpu.memory_space<hbm>> -> memref<16777216xf32, #tpu.memory_space<hbm>>
      tpu.enqueue_indirect_dma source(%dma_start3A_663 : memref<16777216xf32, #tpu.memory_space<hbm>>) target(%dma_start3A_658 : memref<64xf32, #tpu.memory_space<vmem>>) offsets(%dma_start3A_661 : memref<64xi32, #tpu.memory_space<vmem>>) semaphore(%arg9 : memref<!tpu.dma_semaphore, #tpu.memory_space<semaphore_mem>>)
      %dma_start3A_664 = arith.constant 2 : i32
      %dma_start3A_665 = arith.constant 0 : i32
      %dma_start3A_666 = tpu.memref_slice %arg5[%scan3A_343, %dma_start3A_664, %dma_start3A_665] : memref<8x8x64xf32, #tpu.memory_space<vmem>> -> memref<1x1x64xf32, #tpu.memory_space<vmem>>
      %dma_start3A_667 = tpu.memref_squeeze %dma_start3A_666 : memref<1x1x64xf32, #tpu.memory_space<vmem>> -> memref<64xf32, #tpu.memory_space<vmem>>
      %dma_start3A_668 = arith.constant 128 : i32
      %dma_start3A_669 = tpu.memref_slice %arg8[%scan3A_343, %dma_start3A_668] : memref<8x512xi32, #tpu.memory_space<vmem>> -> memref<1x64xi32, #tpu.memory_space<vmem>>
      %dma_start3A_670 = tpu.memref_squeeze %dma_start3A_669 : memref<1x64xi32, #tpu.memory_space<vmem>> -> memref<64xi32, #tpu.memory_space<vmem>>
      %dma_start3A_671 = arith.constant 0 : i32
      %dma_start3A_672 = tpu.memref_slice %arg2[%dma_start3A_671] : memref<16777216xf32, #tpu.memory_space<hbm>> -> memref<16777216xf32, #tpu.memory_space<hbm>>
      tpu.enqueue_indirect_dma source(%dma_start3A_672 : memref<16777216xf32, #tpu.memory_space<hbm>>) target(%dma_start3A_667 : memref<64xf32, #tpu.memory_space<vmem>>) offsets(%dma_start3A_670 : memref<64xi32, #tpu.memory_space<vmem>>) semaphore(%arg9 : memref<!tpu.dma_semaphore, #tpu.memory_space<semaphore_mem>>)
      %dma_start3A_673 = arith.constant 3 : i32
      %dma_start3A_674 = arith.constant 0 : i32
      %dma_start3A_675 = tpu.memref_slice %arg5[%scan3A_343, %dma_start3A_673, %dma_start3A_674] : memref<8x8x64xf32, #tpu.memory_space<vmem>> -> memref<1x1x64xf32, #tpu.memory_space<vmem>>
      %dma_start3A_676 = tpu.memref_squeeze %dma_start3A_675 : memref<1x1x64xf32, #tpu.memory_space<vmem>> -> memref<64xf32, #tpu.memory_space<vmem>>
      %dma_start3A_677 = arith.constant 192 : i32
      %dma_start3A_678 = tpu.memref_slice %arg8[%scan3A_343, %dma_start3A_677] : memref<8x512xi32, #tpu.memory_space<vmem>> -> memref<1x64xi32, #tpu.memory_space<vmem>>
      %dma_start3A_679 = tpu.memref_squeeze %dma_start3A_678 : memref<1x64xi32, #tpu.memory_space<vmem>> -> memref<64xi32, #tpu.memory_space<vmem>>
      %dma_start3A_680 = arith.constant 0 : i32
      %dma_start3A_681 = tpu.memref_slice %arg2[%dma_start3A_680] : memref<16777216xf32, #tpu.memory_space<hbm>> -> memref<16777216xf32, #tpu.memory_space<hbm>>
      tpu.enqueue_indirect_dma source(%dma_start3A_681 : memref<16777216xf32, #tpu.memory_space<hbm>>) target(%dma_start3A_676 : memref<64xf32, #tpu.memory_space<vmem>>) offsets(%dma_start3A_679 : memref<64xi32, #tpu.memory_space<vmem>>) semaphore(%arg9 : memref<!tpu.dma_semaphore, #tpu.memory_space<semaphore_mem>>)
      %dma_start3A_682 = arith.constant 4 : i32
      %dma_start3A_683 = arith.constant 0 : i32
      %dma_start3A_684 = tpu.memref_slice %arg5[%scan3A_343, %dma_start3A_682, %dma_start3A_683] : memref<8x8x64xf32, #tpu.memory_space<vmem>> -> memref<1x1x64xf32, #tpu.memory_space<vmem>>
      %dma_start3A_685 = tpu.memref_squeeze %dma_start3A_684 : memref<1x1x64xf32, #tpu.memory_space<vmem>> -> memref<64xf32, #tpu.memory_space<vmem>>
      %dma_start3A_686 = arith.constant 256 : i32
      %dma_start3A_687 = tpu.memref_slice %arg8[%scan3A_343, %dma_start3A_686] : memref<8x512xi32, #tpu.memory_space<vmem>> -> memref<1x64xi32, #tpu.memory_space<vmem>>
      %dma_start3A_688 = tpu.memref_squeeze %dma_start3A_687 : memref<1x64xi32, #tpu.memory_space<vmem>> -> memref<64xi32, #tpu.memory_space<vmem>>
      %dma_start3A_689 = arith.constant 0 : i32
      %dma_start3A_690 = tpu.memref_slice %arg2[%dma_start3A_689] : memref<16777216xf32, #tpu.memory_space<hbm>> -> memref<16777216xf32, #tpu.memory_space<hbm>>
      tpu.enqueue_indirect_dma source(%dma_start3A_690 : memref<16777216xf32, #tpu.memory_space<hbm>>) target(%dma_start3A_685 : memref<64xf32, #tpu.memory_space<vmem>>) offsets(%dma_start3A_688 : memref<64xi32, #tpu.memory_space<vmem>>) semaphore(%arg9 : memref<!tpu.dma_semaphore, #tpu.memory_space<semaphore_mem>>)
      %dma_start3A_691 = arith.constant 5 : i32
      %dma_start3A_692 = arith.constant 0 : i32
      %dma_start3A_693 = tpu.memref_slice %arg5[%scan3A_343, %dma_start3A_691, %dma_start3A_692] : memref<8x8x64xf32, #tpu.memory_space<vmem>> -> memref<1x1x64xf32, #tpu.memory_space<vmem>>
      %dma_start3A_694 = tpu.memref_squeeze %dma_start3A_693 : memref<1x1x64xf32, #tpu.memory_space<vmem>> -> memref<64xf32, #tpu.memory_space<vmem>>
      %dma_start3A_695 = arith.constant 320 : i32
      %dma_start3A_696 = tpu.memref_slice %arg8[%scan3A_343, %dma_start3A_695] : memref<8x512xi32, #tpu.memory_space<vmem>> -> memref<1x64xi32, #tpu.memory_space<vmem>>
      %dma_start3A_697 = tpu.memref_squeeze %dma_start3A_696 : memref<1x64xi32, #tpu.memory_space<vmem>> -> memref<64xi32, #tpu.memory_space<vmem>>
      %dma_start3A_698 = arith.constant 0 : i32
      %dma_start3A_699 = tpu.memref_slice %arg2[%dma_start3A_698] : memref<16777216xf32, #tpu.memory_space<hbm>> -> memref<16777216xf32, #tpu.memory_space<hbm>>
      tpu.enqueue_indirect_dma source(%dma_start3A_699 : memref<16777216xf32, #tpu.memory_space<hbm>>) target(%dma_start3A_694 : memref<64xf32, #tpu.memory_space<vmem>>) offsets(%dma_start3A_697 : memref<64xi32, #tpu.memory_space<vmem>>) semaphore(%arg9 : memref<!tpu.dma_semaphore, #tpu.memory_space<semaphore_mem>>)
      %dma_start3A_700 = arith.constant 6 : i32
      %dma_start3A_701 = arith.constant 0 : i32
      %dma_start3A_702 = tpu.memref_slice %arg5[%scan3A_343, %dma_start3A_700, %dma_start3A_701] : memref<8x8x64xf32, #tpu.memory_space<vmem>> -> memref<1x1x64xf32, #tpu.memory_space<vmem>>
      %dma_start3A_703 = tpu.memref_squeeze %dma_start3A_702 : memref<1x1x64xf32, #tpu.memory_space<vmem>> -> memref<64xf32, #tpu.memory_space<vmem>>
      %dma_start3A_704 = arith.constant 384 : i32
      %dma_start3A_705 = tpu.memref_slice %arg8[%scan3A_343, %dma_start3A_704] : memref<8x512xi32, #tpu.memory_space<vmem>> -> memref<1x64xi32, #tpu.memory_space<vmem>>
      %dma_start3A_706 = tpu.memref_squeeze %dma_start3A_705 : memref<1x64xi32, #tpu.memory_space<vmem>> -> memref<64xi32, #tpu.memory_space<vmem>>
      %dma_start3A_707 = arith.constant 0 : i32
      %dma_start3A_708 = tpu.memref_slice %arg2[%dma_start3A_707] : memref<16777216xf32, #tpu.memory_space<hbm>> -> memref<16777216xf32, #tpu.memory_space<hbm>>
      tpu.enqueue_indirect_dma source(%dma_start3A_708 : memref<16777216xf32, #tpu.memory_space<hbm>>) target(%dma_start3A_703 : memref<64xf32, #tpu.memory_space<vmem>>) offsets(%dma_start3A_706 : memref<64xi32, #tpu.memory_space<vmem>>) semaphore(%arg9 : memref<!tpu.dma_semaphore, #tpu.memory_space<semaphore_mem>>)
      %dma_start3A_709 = arith.constant 7 : i32
      %dma_start3A_710 = arith.constant 0 : i32
      %dma_start3A_711 = tpu.memref_slice %arg5[%scan3A_343, %dma_start3A_709, %dma_start3A_710] : memref<8x8x64xf32, #tpu.memory_space<vmem>> -> memref<1x1x64xf32, #tpu.memory_space<vmem>>
      %dma_start3A_712 = tpu.memref_squeeze %dma_start3A_711 : memref<1x1x64xf32, #tpu.memory_space<vmem>> -> memref<64xf32, #tpu.memory_space<vmem>>
      %dma_start3A_713 = arith.constant 448 : i32
      %dma_start3A_714 = tpu.memref_slice %arg8[%scan3A_343, %dma_start3A_713] : memref<8x512xi32, #tpu.memory_space<vmem>> -> memref<1x64xi32, #tpu.memory_space<vmem>>
      %dma_start3A_715 = tpu.memref_squeeze %dma_start3A_714 : memref<1x64xi32, #tpu.memory_space<vmem>> -> memref<64xi32, #tpu.memory_space<vmem>>
      %dma_start3A_716 = arith.constant 0 : i32
      %dma_start3A_717 = tpu.memref_slice %arg2[%dma_start3A_716] : memref<16777216xf32, #tpu.memory_space<hbm>> -> memref<16777216xf32, #tpu.memory_space<hbm>>
      tpu.enqueue_indirect_dma source(%dma_start3A_717 : memref<16777216xf32, #tpu.memory_space<hbm>>) target(%dma_start3A_712 : memref<64xf32, #tpu.memory_space<vmem>>) offsets(%dma_start3A_715 : memref<64xi32, #tpu.memory_space<vmem>>) semaphore(%arg9 : memref<!tpu.dma_semaphore, #tpu.memory_space<semaphore_mem>>)
    }
    %scan3A_12 = arith.constant 8 : i32
    %jit3A = arith.constant 8 : i32
    %div3A = arith.divsi %multiple_of3A, %jit3A : i32
    %sign3A = arith.constant 0 : i32
    %sign3A_13 = arith.cmpi sgt, %multiple_of3A, %sign3A : i32
    %sign3A_14 = arith.extui %sign3A_13 : i1 to i32
    %sign3A_15 = arith.constant 0 : i32
    %sign3A_16 = arith.cmpi slt, %multiple_of3A, %sign3A_15 : i32
    %sign3A_17 = arith.extui %sign3A_16 : i1 to i32
    %sign3A_18 = arith.subi %sign3A_14, %sign3A_17 : i32
    %sign3A_19 = arith.constant 0 : i32
    %sign3A_20 = arith.cmpi sgt, %jit3A, %sign3A_19 : i32
    %sign3A_21 = arith.extui %sign3A_20 : i1 to i32
    %sign3A_22 = arith.constant 0 : i32
    %sign3A_23 = arith.cmpi slt, %jit3A, %sign3A_22 : i32
    %sign3A_24 = arith.extui %sign3A_23 : i1 to i32
    %sign3A_25 = arith.subi %sign3A_21, %sign3A_24 : i32
    %ne3A = arith.cmpi ne, %sign3A_18, %sign3A_25 : i32
    %rem3A = arith.remsi %multiple_of3A, %jit3A : i32
    %ne3A_26 = arith.constant 0 : i32
    %ne3A_27 = arith.cmpi ne, %rem3A, %ne3A_26 : i32
    %and3A_28 = arith.andi %ne3A, %ne3A_27 : i1
    %sub3A = arith.constant 1 : i32
    %sub3A_29 = arith.subi %div3A, %sub3A : i32
    %select_n3A = arith.select %and3A_28, %sub3A_29, %div3A : i32
    "tpu.region"() ({
      %run_scoped3A = tpu.sem_alloc : memref<!tpu.dma_semaphore, #tpu.memory_space<semaphore_mem>>
      %dma_start3A = arith.constant 0 : i32
      %dma_start3A_343 = arith.constant 0 : i32
      %dma_start3A_344 = tpu.memref_slice %arg3[%shift_right_arithmetic3A_3, %select_n3A, %dma_start3A, %dma_start3A_343] : memref<16x16x8x128xf32, #tpu.memory_space<hbm>> -> memref<1x8x8x128xf32, #tpu.memory_space<hbm>>
      %dma_start3A_345 = tpu.memref_squeeze %dma_start3A_344 : memref<1x8x8x128xf32, #tpu.memory_space<hbm>> -> memref<8x8x128xf32, #tpu.memory_space<hbm>>
      %dma_start3A_346 = arith.constant 0 : i32
      %dma_start3A_347 = arith.constant 0 : i32
      %dma_start3A_348 = tpu.memref_slice %arg3[%shift_right_arithmetic3A_3, %select_n3A, %dma_start3A_346, %dma_start3A_347] : memref<16x16x8x128xf32, #tpu.memory_space<hbm>> -> memref<1x8x8x128xf32, #tpu.memory_space<hbm>>
      %dma_start3A_349 = tpu.memref_squeeze %dma_start3A_348 : memref<1x8x8x128xf32, #tpu.memory_space<hbm>> -> memref<8x8x128xf32, #tpu.memory_space<hbm>>
      tpu.enqueue_dma source(%dma_start3A_349 : memref<8x8x128xf32, #tpu.memory_space<hbm>>) target(%arg6 : memref<8x8x128xf32, #tpu.memory_space<vmem>>) target_semaphore(%run_scoped3A : memref<!tpu.dma_semaphore, #tpu.memory_space<semaphore_mem>>)
      %dma_wait3A = arith.constant 0 : i32
      %dma_wait3A_350 = arith.constant 0 : i32
      %dma_wait3A_351 = tpu.memref_slice %arg3[%shift_right_arithmetic3A_3, %select_n3A, %dma_wait3A, %dma_wait3A_350] : memref<16x16x8x128xf32, #tpu.memory_space<hbm>> -> memref<1x8x8x128xf32, #tpu.memory_space<hbm>>
      %dma_wait3A_352 = tpu.memref_squeeze %dma_wait3A_351 : memref<1x8x8x128xf32, #tpu.memory_space<hbm>> -> memref<8x8x128xf32, #tpu.memory_space<hbm>>
      %dma_wait3A_353 = arith.constant 0 : i32
      %dma_wait3A_354 = arith.constant 0 : i32
      %dma_wait3A_355 = tpu.memref_slice %arg3[%shift_right_arithmetic3A_3, %select_n3A, %dma_wait3A_353, %dma_wait3A_354] : memref<16x16x8x128xf32, #tpu.memory_space<hbm>> -> memref<1x8x8x128xf32, #tpu.memory_space<hbm>>
      %dma_wait3A_356 = tpu.memref_squeeze %dma_wait3A_355 : memref<1x8x8x128xf32, #tpu.memory_space<hbm>> -> memref<8x8x128xf32, #tpu.memory_space<hbm>>
      tpu.wait_dma2 semaphore(%run_scoped3A : memref<!tpu.dma_semaphore, #tpu.memory_space<semaphore_mem>>) src(%dma_wait3A_356 : memref<8x8x128xf32, #tpu.memory_space<hbm>>) dst(%arg6 : memref<8x8x128xf32, #tpu.memory_space<vmem>>)
      tpu.yield
    }) : () -> ()
    %scan3A_30 = arith.constant 0 : i32
    %scan3A_31 = arith.constant 0 : i32
    %scan3A_32 = arith.constant 64 : i32
    %scan3A_33 = arith.addi %scan3A_31, %scan3A_32 : i32
    %scan3A_34 = arith.constant 1 : i32
    scf.for %scan3A_343 = %scan3A_31 to %scan3A_33 step %scan3A_34  : i32 {
      %jit3A_344 = arith.constant 8 : i32
      %div3A_345 = arith.divsi %scan3A_343, %jit3A_344 : i32
      %sign3A_346 = arith.constant 0 : i32
      %sign3A_347 = arith.cmpi sgt, %scan3A_343, %sign3A_346 : i32
      %sign3A_348 = arith.extui %sign3A_347 : i1 to i32
      %sign3A_349 = arith.constant 0 : i32
      %sign3A_350 = arith.cmpi slt, %scan3A_343, %sign3A_349 : i32
      %sign3A_351 = arith.extui %sign3A_350 : i1 to i32
      %sign3A_352 = arith.subi %sign3A_348, %sign3A_351 : i32
      %sign3A_353 = arith.constant 0 : i32
      %sign3A_354 = arith.cmpi sgt, %jit3A_344, %sign3A_353 : i32
      %sign3A_355 = arith.extui %sign3A_354 : i1 to i32
      %sign3A_356 = arith.constant 0 : i32
      %sign3A_357 = arith.cmpi slt, %jit3A_344, %sign3A_356 : i32
      %sign3A_358 = arith.extui %sign3A_357 : i1 to i32
      %sign3A_359 = arith.subi %sign3A_355, %sign3A_358 : i32
      %ne3A_360 = arith.cmpi ne, %sign3A_352, %sign3A_359 : i32
      %rem3A_361 = arith.remsi %scan3A_343, %jit3A_344 : i32
      %ne3A_362 = arith.constant 0 : i32
      %ne3A_363 = arith.cmpi ne, %rem3A_361, %ne3A_362 : i32
      %and3A_364 = arith.andi %ne3A_360, %ne3A_363 : i1
      %sub3A_365 = arith.constant 1 : i32
      %sub3A_366 = arith.subi %div3A_345, %sub3A_365 : i32
      %select_n3A_367 = arith.select %and3A_364, %sub3A_366, %div3A_345 : i32
      %jit3A_368 = arith.constant 8 : i32
      %eq3A = arith.constant 0 : i32
      %eq3A_369 = arith.cmpi eq, %jit3A_368, %eq3A : i32
      %jit3A_370 = arith.constant 1 : i32
      %select_n3A_371 = arith.select %eq3A_369, %jit3A_370, %jit3A_368 : i32
      %rem3A_372 = arith.remsi %scan3A_343, %select_n3A_371 : i32
      %ne3A_373 = arith.constant 0 : i32
      %ne3A_374 = arith.cmpi ne, %rem3A_372, %ne3A_373 : i32
      %lt3A = arith.constant 0 : i32
      %lt3A_375 = arith.cmpi slt, %rem3A_372, %lt3A : i32
      %lt3A_376 = arith.constant 0 : i32
      %lt3A_377 = arith.cmpi slt, %select_n3A_371, %lt3A_376 : i32
      %ne3A_378 = arith.xori %lt3A_375, %lt3A_377 : i1
      %and3A_379 = arith.andi %ne3A_378, %ne3A_374 : i1
      %add3A_380 = arith.addi %rem3A_372, %select_n3A_371 : i32
      %select_n3A_381 = arith.select %and3A_379, %add3A_380, %rem3A_372 : i32
      %get3A = arith.index_cast %select_n3A_367 : i32 to index
      %get3A_382 = arith.index_cast %select_n3A_381 : i32 to index
      %get3A_383 = arith.constant 0 : index
      %get3A_384 = tpu.vector_load %arg6[%get3A, %get3A_382, %get3A_383] {strides = array<i32>} : memref<8x8x128xf32, #tpu.memory_space<vmem>>, vector<16xf32>,
      %jit3A_385 = arith.constant 8 : i32
      %div3A_386 = arith.divsi %scan3A_343, %jit3A_385 : i32
      %sign3A_387 = arith.constant 0 : i32
      %sign3A_388 = arith.cmpi sgt, %scan3A_343, %sign3A_387 : i32
      %sign3A_389 = arith.extui %sign3A_388 : i1 to i32
      %sign3A_390 = arith.constant 0 : i32
      %sign3A_391 = arith.cmpi slt, %scan3A_343, %sign3A_390 : i32
      %sign3A_392 = arith.extui %sign3A_391 : i1 to i32
      %sign3A_393 = arith.subi %sign3A_389, %sign3A_392 : i32
      %sign3A_394 = arith.constant 0 : i32
      %sign3A_395 = arith.cmpi sgt, %jit3A_385, %sign3A_394 : i32
      %sign3A_396 = arith.extui %sign3A_395 : i1 to i32
      %sign3A_397 = arith.constant 0 : i32
      %sign3A_398 = arith.cmpi slt, %jit3A_385, %sign3A_397 : i32
      %sign3A_399 = arith.extui %sign3A_398 : i1 to i32
      %sign3A_400 = arith.subi %sign3A_396, %sign3A_399 : i32
      %ne3A_401 = arith.cmpi ne, %sign3A_393, %sign3A_400 : i32
      %rem3A_402 = arith.remsi %scan3A_343, %jit3A_385 : i32
      %ne3A_403 = arith.constant 0 : i32
      %ne3A_404 = arith.cmpi ne, %rem3A_402, %ne3A_403 : i32
      %and3A_405 = arith.andi %ne3A_401, %ne3A_404 : i1
      %sub3A_406 = arith.constant 1 : i32
      %sub3A_407 = arith.subi %div3A_386, %sub3A_406 : i32
      %select_n3A_408 = arith.select %and3A_405, %sub3A_407, %div3A_386 : i32
      %jit3A_409 = arith.constant 8 : i32
      %eq3A_410 = arith.constant 0 : i32
      %eq3A_411 = arith.cmpi eq, %jit3A_409, %eq3A_410 : i32
      %jit3A_412 = arith.constant 1 : i32
      %select_n3A_413 = arith.select %eq3A_411, %jit3A_412, %jit3A_409 : i32
      %rem3A_414 = arith.remsi %scan3A_343, %select_n3A_413 : i32
      %ne3A_415 = arith.constant 0 : i32
      %ne3A_416 = arith.cmpi ne, %rem3A_414, %ne3A_415 : i32
      %lt3A_417 = arith.constant 0 : i32
      %lt3A_418 = arith.cmpi slt, %rem3A_414, %lt3A_417 : i32
      %lt3A_419 = arith.constant 0 : i32
      %lt3A_420 = arith.cmpi slt, %select_n3A_413, %lt3A_419 : i32
      %ne3A_421 = arith.xori %lt3A_418, %lt3A_420 : i1
      %and3A_422 = arith.andi %ne3A_421, %ne3A_416 : i1
      %add3A_423 = arith.addi %rem3A_414, %select_n3A_413 : i32
      %select_n3A_424 = arith.select %and3A_422, %add3A_423, %rem3A_414 : i32
      %get3A_425 = arith.index_cast %select_n3A_408 : i32 to index
      %get3A_426 = arith.index_cast %select_n3A_424 : i32 to index
      %get3A_427 = arith.constant 16 : index
      %get3A_428 = tpu.vector_load %arg6[%get3A_425, %get3A_426, %get3A_427] {strides = array<i32>} : memref<8x8x128xf32, #tpu.memory_space<vmem>>, vector<16xf32>,
      %add3A_429 = arith.addf %get3A_384, %get3A_428 : vector<16xf32>
      %jit3A_430 = arith.constant 8 : i32
      %div3A_431 = arith.divsi %scan3A_343, %jit3A_430 : i32
      %sign3A_432 = arith.constant 0 : i32
      %sign3A_433 = arith.cmpi sgt, %scan3A_343, %sign3A_432 : i32
      %sign3A_434 = arith.extui %sign3A_433 : i1 to i32
      %sign3A_435 = arith.constant 0 : i32
      %sign3A_436 = arith.cmpi slt, %scan3A_343, %sign3A_435 : i32
      %sign3A_437 = arith.extui %sign3A_436 : i1 to i32
      %sign3A_438 = arith.subi %sign3A_434, %sign3A_437 : i32
      %sign3A_439 = arith.constant 0 : i32
      %sign3A_440 = arith.cmpi sgt, %jit3A_430, %sign3A_439 : i32
      %sign3A_441 = arith.extui %sign3A_440 : i1 to i32
      %sign3A_442 = arith.constant 0 : i32
      %sign3A_443 = arith.cmpi slt, %jit3A_430, %sign3A_442 : i32
      %sign3A_444 = arith.extui %sign3A_443 : i1 to i32
      %sign3A_445 = arith.subi %sign3A_441, %sign3A_444 : i32
      %ne3A_446 = arith.cmpi ne, %sign3A_438, %sign3A_445 : i32
      %rem3A_447 = arith.remsi %scan3A_343, %jit3A_430 : i32
      %ne3A_448 = arith.constant 0 : i32
      %ne3A_449 = arith.cmpi ne, %rem3A_447, %ne3A_448 : i32
      %and3A_450 = arith.andi %ne3A_446, %ne3A_449 : i1
      %sub3A_451 = arith.constant 1 : i32
      %sub3A_452 = arith.subi %div3A_431, %sub3A_451 : i32
      %select_n3A_453 = arith.select %and3A_450, %sub3A_452, %div3A_431 : i32
      %jit3A_454 = arith.constant 8 : i32
      %eq3A_455 = arith.constant 0 : i32
      %eq3A_456 = arith.cmpi eq, %jit3A_454, %eq3A_455 : i32
      %jit3A_457 = arith.constant 1 : i32
      %select_n3A_458 = arith.select %eq3A_456, %jit3A_457, %jit3A_454 : i32
      %rem3A_459 = arith.remsi %scan3A_343, %select_n3A_458 : i32
      %ne3A_460 = arith.constant 0 : i32
      %ne3A_461 = arith.cmpi ne, %rem3A_459, %ne3A_460 : i32
      %lt3A_462 = arith.constant 0 : i32
      %lt3A_463 = arith.cmpi slt, %rem3A_459, %lt3A_462 : i32
      %lt3A_464 = arith.constant 0 : i32
      %lt3A_465 = arith.cmpi slt, %select_n3A_458, %lt3A_464 : i32
      %ne3A_466 = arith.xori %lt3A_463, %lt3A_465 : i1
      %and3A_467 = arith.andi %ne3A_466, %ne3A_461 : i1
      %add3A_468 = arith.addi %rem3A_459, %select_n3A_458 : i32
      %select_n3A_469 = arith.select %and3A_467, %add3A_468, %rem3A_459 : i32
      %get3A_470 = arith.index_cast %select_n3A_453 : i32 to index
      %get3A_471 = arith.index_cast %select_n3A_469 : i32 to index
      %get3A_472 = arith.constant 32 : index
      %get3A_473 = tpu.vector_load %arg6[%get3A_470, %get3A_471, %get3A_472] {strides = array<i32>} : memref<8x8x128xf32, #tpu.memory_space<vmem>>, vector<16xf32>,
      %add3A_474 = arith.addf %add3A_429, %get3A_473 : vector<16xf32>
      %jit3A_475 = arith.constant 8 : i32
      %div3A_476 = arith.divsi %scan3A_343, %jit3A_475 : i32
      %sign3A_477 = arith.constant 0 : i32
      %sign3A_478 = arith.cmpi sgt, %scan3A_343, %sign3A_477 : i32
      %sign3A_479 = arith.extui %sign3A_478 : i1 to i32
      %sign3A_480 = arith.constant 0 : i32
      %sign3A_481 = arith.cmpi slt, %scan3A_343, %sign3A_480 : i32
      %sign3A_482 = arith.extui %sign3A_481 : i1 to i32
      %sign3A_483 = arith.subi %sign3A_479, %sign3A_482 : i32
      %sign3A_484 = arith.constant 0 : i32
      %sign3A_485 = arith.cmpi sgt, %jit3A_475, %sign3A_484 : i32
      %sign3A_486 = arith.extui %sign3A_485 : i1 to i32
      %sign3A_487 = arith.constant 0 : i32
      %sign3A_488 = arith.cmpi slt, %jit3A_475, %sign3A_487 : i32
      %sign3A_489 = arith.extui %sign3A_488 : i1 to i32
      %sign3A_490 = arith.subi %sign3A_486, %sign3A_489 : i32
      %ne3A_491 = arith.cmpi ne, %sign3A_483, %sign3A_490 : i32
      %rem3A_492 = arith.remsi %scan3A_343, %jit3A_475 : i32
      %ne3A_493 = arith.constant 0 : i32
      %ne3A_494 = arith.cmpi ne, %rem3A_492, %ne3A_493 : i32
      %and3A_495 = arith.andi %ne3A_491, %ne3A_494 : i1
      %sub3A_496 = arith.constant 1 : i32
      %sub3A_497 = arith.subi %div3A_476, %sub3A_496 : i32
      %select_n3A_498 = arith.select %and3A_495, %sub3A_497, %div3A_476 : i32
      %jit3A_499 = arith.constant 8 : i32
      %eq3A_500 = arith.constant 0 : i32
      %eq3A_501 = arith.cmpi eq, %jit3A_499, %eq3A_500 : i32
      %jit3A_502 = arith.constant 1 : i32
      %select_n3A_503 = arith.select %eq3A_501, %jit3A_502, %jit3A_499 : i32
      %rem3A_504 = arith.remsi %scan3A_343, %select_n3A_503 : i32
      %ne3A_505 = arith.constant 0 : i32
      %ne3A_506 = arith.cmpi ne, %rem3A_504, %ne3A_505 : i32
      %lt3A_507 = arith.constant 0 : i32
      %lt3A_508 = arith.cmpi slt, %rem3A_504, %lt3A_507 : i32
      %lt3A_509 = arith.constant 0 : i32
      %lt3A_510 = arith.cmpi slt, %select_n3A_503, %lt3A_509 : i32
      %ne3A_511 = arith.xori %lt3A_508, %lt3A_510 : i1
      %and3A_512 = arith.andi %ne3A_511, %ne3A_506 : i1
      %add3A_513 = arith.addi %rem3A_504, %select_n3A_503 : i32
      %select_n3A_514 = arith.select %and3A_512, %add3A_513, %rem3A_504 : i32
      %get3A_515 = arith.index_cast %select_n3A_498 : i32 to index
      %get3A_516 = arith.index_cast %select_n3A_514 : i32 to index
      %get3A_517 = arith.constant 48 : index
      %get3A_518 = tpu.vector_load %arg6[%get3A_515, %get3A_516, %get3A_517] {strides = array<i32>} : memref<8x8x128xf32, #tpu.memory_space<vmem>>, vector<16xf32>,
      %add3A_519 = arith.addf %add3A_474, %get3A_518 : vector<16xf32>
      %jit3A_520 = arith.constant 8 : i32
      %div3A_521 = arith.divsi %scan3A_343, %jit3A_520 : i32
      %sign3A_522 = arith.constant 0 : i32
      %sign3A_523 = arith.cmpi sgt, %scan3A_343, %sign3A_522 : i32
      %sign3A_524 = arith.extui %sign3A_523 : i1 to i32
      %sign3A_525 = arith.constant 0 : i32
      %sign3A_526 = arith.cmpi slt, %scan3A_343, %sign3A_525 : i32
      %sign3A_527 = arith.extui %sign3A_526 : i1 to i32
      %sign3A_528 = arith.subi %sign3A_524, %sign3A_527 : i32
      %sign3A_529 = arith.constant 0 : i32
      %sign3A_530 = arith.cmpi sgt, %jit3A_520, %sign3A_529 : i32
      %sign3A_531 = arith.extui %sign3A_530 : i1 to i32
      %sign3A_532 = arith.constant 0 : i32
      %sign3A_533 = arith.cmpi slt, %jit3A_520, %sign3A_532 : i32
      %sign3A_534 = arith.extui %sign3A_533 : i1 to i32
      %sign3A_535 = arith.subi %sign3A_531, %sign3A_534 : i32
      %ne3A_536 = arith.cmpi ne, %sign3A_528, %sign3A_535 : i32
      %rem3A_537 = arith.remsi %scan3A_343, %jit3A_520 : i32
      %ne3A_538 = arith.constant 0 : i32
      %ne3A_539 = arith.cmpi ne, %rem3A_537, %ne3A_538 : i32
      %and3A_540 = arith.andi %ne3A_536, %ne3A_539 : i1
      %sub3A_541 = arith.constant 1 : i32
      %sub3A_542 = arith.subi %div3A_521, %sub3A_541 : i32
      %select_n3A_543 = arith.select %and3A_540, %sub3A_542, %div3A_521 : i32
      %jit3A_544 = arith.constant 8 : i32
      %eq3A_545 = arith.constant 0 : i32
      %eq3A_546 = arith.cmpi eq, %jit3A_544, %eq3A_545 : i32
      %jit3A_547 = arith.constant 1 : i32
      %select_n3A_548 = arith.select %eq3A_546, %jit3A_547, %jit3A_544 : i32
      %rem3A_549 = arith.remsi %scan3A_343, %select_n3A_548 : i32
      %ne3A_550 = arith.constant 0 : i32
      %ne3A_551 = arith.cmpi ne, %rem3A_549, %ne3A_550 : i32
      %lt3A_552 = arith.constant 0 : i32
      %lt3A_553 = arith.cmpi slt, %rem3A_549, %lt3A_552 : i32
      %lt3A_554 = arith.constant 0 : i32
      %lt3A_555 = arith.cmpi slt, %select_n3A_548, %lt3A_554 : i32
      %ne3A_556 = arith.xori %lt3A_553, %lt3A_555 : i1
      %and3A_557 = arith.andi %ne3A_556, %ne3A_551 : i1
      %add3A_558 = arith.addi %rem3A_549, %select_n3A_548 : i32
      %select_n3A_559 = arith.select %and3A_557, %add3A_558, %rem3A_549 : i32
      %get3A_560 = arith.index_cast %select_n3A_543 : i32 to index
      %get3A_561 = arith.index_cast %select_n3A_559 : i32 to index
      %get3A_562 = arith.constant 64 : index
      %get3A_563 = tpu.vector_load %arg6[%get3A_560, %get3A_561, %get3A_562] {strides = array<i32>} : memref<8x8x128xf32, #tpu.memory_space<vmem>>, vector<16xf32>,
      %add3A_564 = arith.addf %add3A_519, %get3A_563 : vector<16xf32>
      %jit3A_565 = arith.constant 8 : i32
      %div3A_566 = arith.divsi %scan3A_343, %jit3A_565 : i32
      %sign3A_567 = arith.constant 0 : i32
      %sign3A_568 = arith.cmpi sgt, %scan3A_343, %sign3A_567 : i32
      %sign3A_569 = arith.extui %sign3A_568 : i1 to i32
      %sign3A_570 = arith.constant 0 : i32
      %sign3A_571 = arith.cmpi slt, %scan3A_343, %sign3A_570 : i32
      %sign3A_572 = arith.extui %sign3A_571 : i1 to i32
      %sign3A_573 = arith.subi %sign3A_569, %sign3A_572 : i32
      %sign3A_574 = arith.constant 0 : i32
      %sign3A_575 = arith.cmpi sgt, %jit3A_565, %sign3A_574 : i32
      %sign3A_576 = arith.extui %sign3A_575 : i1 to i32
      %sign3A_577 = arith.constant 0 : i32
      %sign3A_578 = arith.cmpi slt, %jit3A_565, %sign3A_577 : i32
      %sign3A_579 = arith.extui %sign3A_578 : i1 to i32
      %sign3A_580 = arith.subi %sign3A_576, %sign3A_579 : i32
      %ne3A_581 = arith.cmpi ne, %sign3A_573, %sign3A_580 : i32
      %rem3A_582 = arith.remsi %scan3A_343, %jit3A_565 : i32
      %ne3A_583 = arith.constant 0 : i32
      %ne3A_584 = arith.cmpi ne, %rem3A_582, %ne3A_583 : i32
      %and3A_585 = arith.andi %ne3A_581, %ne3A_584 : i1
      %sub3A_586 = arith.constant 1 : i32
      %sub3A_587 = arith.subi %div3A_566, %sub3A_586 : i32
      %select_n3A_588 = arith.select %and3A_585, %sub3A_587, %div3A_566 : i32
      %jit3A_589 = arith.constant 8 : i32
      %eq3A_590 = arith.constant 0 : i32
      %eq3A_591 = arith.cmpi eq, %jit3A_589, %eq3A_590 : i32
      %jit3A_592 = arith.constant 1 : i32
      %select_n3A_593 = arith.select %eq3A_591, %jit3A_592, %jit3A_589 : i32
      %rem3A_594 = arith.remsi %scan3A_343, %select_n3A_593 : i32
      %ne3A_595 = arith.constant 0 : i32
      %ne3A_596 = arith.cmpi ne, %rem3A_594, %ne3A_595 : i32
      %lt3A_597 = arith.constant 0 : i32
      %lt3A_598 = arith.cmpi slt, %rem3A_594, %lt3A_597 : i32
      %lt3A_599 = arith.constant 0 : i32
      %lt3A_600 = arith.cmpi slt, %select_n3A_593, %lt3A_599 : i32
      %ne3A_601 = arith.xori %lt3A_598, %lt3A_600 : i1
      %and3A_602 = arith.andi %ne3A_601, %ne3A_596 : i1
      %add3A_603 = arith.addi %rem3A_594, %select_n3A_593 : i32
      %select_n3A_604 = arith.select %and3A_602, %add3A_603, %rem3A_594 : i32
      %get3A_605 = arith.index_cast %select_n3A_588 : i32 to index
      %get3A_606 = arith.index_cast %select_n3A_604 : i32 to index
      %get3A_607 = arith.constant 80 : index
      %get3A_608 = tpu.vector_load %arg6[%get3A_605, %get3A_606, %get3A_607] {strides = array<i32>} : memref<8x8x128xf32, #tpu.memory_space<vmem>>, vector<16xf32>,
      %add3A_609 = arith.addf %add3A_564, %get3A_608 : vector<16xf32>
      %jit3A_610 = arith.constant 8 : i32
      %div3A_611 = arith.divsi %scan3A_343, %jit3A_610 : i32
      %sign3A_612 = arith.constant 0 : i32
      %sign3A_613 = arith.cmpi sgt, %scan3A_343, %sign3A_612 : i32
      %sign3A_614 = arith.extui %sign3A_613 : i1 to i32
      %sign3A_615 = arith.constant 0 : i32
      %sign3A_616 = arith.cmpi slt, %scan3A_343, %sign3A_615 : i32
      %sign3A_617 = arith.extui %sign3A_616 : i1 to i32
      %sign3A_618 = arith.subi %sign3A_614, %sign3A_617 : i32
      %sign3A_619 = arith.constant 0 : i32
      %sign3A_620 = arith.cmpi sgt, %jit3A_610, %sign3A_619 : i32
      %sign3A_621 = arith.extui %sign3A_620 : i1 to i32
      %sign3A_622 = arith.constant 0 : i32
      %sign3A_623 = arith.cmpi slt, %jit3A_610, %sign3A_622 : i32
      %sign3A_624 = arith.extui %sign3A_623 : i1 to i32
      %sign3A_625 = arith.subi %sign3A_621, %sign3A_624 : i32
      %ne3A_626 = arith.cmpi ne, %sign3A_618, %sign3A_625 : i32
      %rem3A_627 = arith.remsi %scan3A_343, %jit3A_610 : i32
      %ne3A_628 = arith.constant 0 : i32
      %ne3A_629 = arith.cmpi ne, %rem3A_627, %ne3A_628 : i32
      %and3A_630 = arith.andi %ne3A_626, %ne3A_629 : i1
      %sub3A_631 = arith.constant 1 : i32
      %sub3A_632 = arith.subi %div3A_611, %sub3A_631 : i32
      %select_n3A_633 = arith.select %and3A_630, %sub3A_632, %div3A_611 : i32
      %jit3A_634 = arith.constant 8 : i32
      %eq3A_635 = arith.constant 0 : i32
      %eq3A_636 = arith.cmpi eq, %jit3A_634, %eq3A_635 : i32
      %jit3A_637 = arith.constant 1 : i32
      %select_n3A_638 = arith.select %eq3A_636, %jit3A_637, %jit3A_634 : i32
      %rem3A_639 = arith.remsi %scan3A_343, %select_n3A_638 : i32
      %ne3A_640 = arith.constant 0 : i32
      %ne3A_641 = arith.cmpi ne, %rem3A_639, %ne3A_640 : i32
      %lt3A_642 = arith.constant 0 : i32
      %lt3A_643 = arith.cmpi slt, %rem3A_639, %lt3A_642 : i32
      %lt3A_644 = arith.constant 0 : i32
      %lt3A_645 = arith.cmpi slt, %select_n3A_638, %lt3A_644 : i32
      %ne3A_646 = arith.xori %lt3A_643, %lt3A_645 : i1
      %and3A_647 = arith.andi %ne3A_646, %ne3A_641 : i1
      %add3A_648 = arith.addi %rem3A_639, %select_n3A_638 : i32
      %select_n3A_649 = arith.select %and3A_647, %add3A_648, %rem3A_639 : i32
      %get3A_650 = arith.index_cast %select_n3A_633 : i32 to index
      %get3A_651 = arith.index_cast %select_n3A_649 : i32 to index
      %get3A_652 = arith.constant 96 : index
      %get3A_653 = tpu.vector_load %arg6[%get3A_650, %get3A_651, %get3A_652] {strides = array<i32>} : memref<8x8x128xf32, #tpu.memory_space<vmem>>, vector<16xf32>,
      %add3A_654 = arith.addf %add3A_609, %get3A_653 : vector<16xf32>
      %jit3A_655 = arith.constant 8 : i32
      %div3A_656 = arith.divsi %scan3A_343, %jit3A_655 : i32
      %sign3A_657 = arith.constant 0 : i32
      %sign3A_658 = arith.cmpi sgt, %scan3A_343, %sign3A_657 : i32
      %sign3A_659 = arith.extui %sign3A_658 : i1 to i32
      %sign3A_660 = arith.constant 0 : i32
      %sign3A_661 = arith.cmpi slt, %scan3A_343, %sign3A_660 : i32
      %sign3A_662 = arith.extui %sign3A_661 : i1 to i32
      %sign3A_663 = arith.subi %sign3A_659, %sign3A_662 : i32
      %sign3A_664 = arith.constant 0 : i32
      %sign3A_665 = arith.cmpi sgt, %jit3A_655, %sign3A_664 : i32
      %sign3A_666 = arith.extui %sign3A_665 : i1 to i32
      %sign3A_667 = arith.constant 0 : i32
      %sign3A_668 = arith.cmpi slt, %jit3A_655, %sign3A_667 : i32
      %sign3A_669 = arith.extui %sign3A_668 : i1 to i32
      %sign3A_670 = arith.subi %sign3A_666, %sign3A_669 : i32
      %ne3A_671 = arith.cmpi ne, %sign3A_663, %sign3A_670 : i32
      %rem3A_672 = arith.remsi %scan3A_343, %jit3A_655 : i32
      %ne3A_673 = arith.constant 0 : i32
      %ne3A_674 = arith.cmpi ne, %rem3A_672, %ne3A_673 : i32
      %and3A_675 = arith.andi %ne3A_671, %ne3A_674 : i1
      %sub3A_676 = arith.constant 1 : i32
      %sub3A_677 = arith.subi %div3A_656, %sub3A_676 : i32
      %select_n3A_678 = arith.select %and3A_675, %sub3A_677, %div3A_656 : i32
      %jit3A_679 = arith.constant 8 : i32
      %eq3A_680 = arith.constant 0 : i32
      %eq3A_681 = arith.cmpi eq, %jit3A_679, %eq3A_680 : i32
      %jit3A_682 = arith.constant 1 : i32
      %select_n3A_683 = arith.select %eq3A_681, %jit3A_682, %jit3A_679 : i32
      %rem3A_684 = arith.remsi %scan3A_343, %select_n3A_683 : i32
      %ne3A_685 = arith.constant 0 : i32
      %ne3A_686 = arith.cmpi ne, %rem3A_684, %ne3A_685 : i32
      %lt3A_687 = arith.constant 0 : i32
      %lt3A_688 = arith.cmpi slt, %rem3A_684, %lt3A_687 : i32
      %lt3A_689 = arith.constant 0 : i32
      %lt3A_690 = arith.cmpi slt, %select_n3A_683, %lt3A_689 : i32
      %ne3A_691 = arith.xori %lt3A_688, %lt3A_690 : i1
      %and3A_692 = arith.andi %ne3A_691, %ne3A_686 : i1
      %add3A_693 = arith.addi %rem3A_684, %select_n3A_683 : i32
      %select_n3A_694 = arith.select %and3A_692, %add3A_693, %rem3A_684 : i32
      %get3A_695 = arith.index_cast %select_n3A_678 : i32 to index
      %get3A_696 = arith.index_cast %select_n3A_694 : i32 to index
      %get3A_697 = arith.constant 112 : index
      %get3A_698 = tpu.vector_load %arg6[%get3A_695, %get3A_696, %get3A_697] {strides = array<i32>} : memref<8x8x128xf32, #tpu.memory_space<vmem>>, vector<16xf32>,
      %add3A_699 = arith.addf %add3A_654, %get3A_698 : vector<16xf32>
      %swap3A = arith.index_cast %scan3A_343 : i32 to index
      %swap3A_700 = arith.constant 0 : index
      %swap3A_701 = tpu.vector_load %arg7[%swap3A, %swap3A_700] {strides = array<i32>} : memref<64x16xf32, #tpu.memory_space<vmem>>, vector<16xf32>,
      tpu.vector_store %arg7[%swap3A, %swap3A_700], %add3A_699 {strides = array<i32>} : memref<64x16xf32, #tpu.memory_space<vmem>>, vector<16xf32>,
    }
    %scan3A_35 = arith.constant 64 : i32
    %iota3A_36 = tpu.iota {dimensions = array<i32: 0>} : vector<16xi32>
    %add3A_37 = arith.constant 0 : i32
    %add3A_38 = vector.broadcast %add3A_37 : i32 to vector<16xi32>
    %add3A_39 = arith.addi %add3A_38, %iota3A_36 : vector<16xi32>
    %broadcast_in_dim3A = arith.constant 0 : i32
    %broadcast_in_dim3A_40 = vector.broadcast %broadcast_in_dim3A : i32 to vector<16xi32>
    %gather3A = tpu.vector_load_idx %arg7[%add3A_39, %broadcast_in_dim3A_40] : memref<64x16xf32, #tpu.memory_space<vmem>>[vector<16xi32>, vector<16xi32>], vector<16xf32>,
    %broadcast_in_dim3A_41 = arith.constant 1 : i32
    %broadcast_in_dim3A_42 = vector.broadcast %broadcast_in_dim3A_41 : i32 to vector<16xi32>
    %gather3A_43 = tpu.vector_load_idx %arg7[%add3A_39, %broadcast_in_dim3A_42] : memref<64x16xf32, #tpu.memory_space<vmem>>[vector<16xi32>, vector<16xi32>], vector<16xf32>,
    %add3A_44 = arith.addf %gather3A, %gather3A_43 : vector<16xf32>
    %broadcast_in_dim3A_45 = arith.constant 2 : i32
    %broadcast_in_dim3A_46 = vector.broadcast %broadcast_in_dim3A_45 : i32 to vector<16xi32>
    %gather3A_47 = tpu.vector_load_idx %arg7[%add3A_39, %broadcast_in_dim3A_46] : memref<64x16xf32, #tpu.memory_space<vmem>>[vector<16xi32>, vector<16xi32>], vector<16xf32>,
    %add3A_48 = arith.addf %add3A_44, %gather3A_47 : vector<16xf32>
    %broadcast_in_dim3A_49 = arith.constant 3 : i32
    %broadcast_in_dim3A_50 = vector.broadcast %broadcast_in_dim3A_49 : i32 to vector<16xi32>
    %gather3A_51 = tpu.vector_load_idx %arg7[%add3A_39, %broadcast_in_dim3A_50] : memref<64x16xf32, #tpu.memory_space<vmem>>[vector<16xi32>, vector<16xi32>], vector<16xf32>,
    %add3A_52 = arith.addf %add3A_48, %gather3A_51 : vector<16xf32>
    %broadcast_in_dim3A_53 = arith.constant 4 : i32
    %broadcast_in_dim3A_54 = vector.broadcast %broadcast_in_dim3A_53 : i32 to vector<16xi32>
    %gather3A_55 = tpu.vector_load_idx %arg7[%add3A_39, %broadcast_in_dim3A_54] : memref<64x16xf32, #tpu.memory_space<vmem>>[vector<16xi32>, vector<16xi32>], vector<16xf32>,
    %add3A_56 = arith.addf %add3A_52, %gather3A_55 : vector<16xf32>
    %broadcast_in_dim3A_57 = arith.constant 5 : i32
    %broadcast_in_dim3A_58 = vector.broadcast %broadcast_in_dim3A_57 : i32 to vector<16xi32>
    %gather3A_59 = tpu.vector_load_idx %arg7[%add3A_39, %broadcast_in_dim3A_58] : memref<64x16xf32, #tpu.memory_space<vmem>>[vector<16xi32>, vector<16xi32>], vector<16xf32>,
    %add3A_60 = arith.addf %add3A_56, %gather3A_59 : vector<16xf32>
    %broadcast_in_dim3A_61 = arith.constant 6 : i32
    %broadcast_in_dim3A_62 = vector.broadcast %broadcast_in_dim3A_61 : i32 to vector<16xi32>
    %gather3A_63 = tpu.vector_load_idx %arg7[%add3A_39, %broadcast_in_dim3A_62] : memref<64x16xf32, #tpu.memory_space<vmem>>[vector<16xi32>, vector<16xi32>], vector<16xf32>,
    %add3A_64 = arith.addf %add3A_60, %gather3A_63 : vector<16xf32>
    %broadcast_in_dim3A_65 = arith.constant 7 : i32
    %broadcast_in_dim3A_66 = vector.broadcast %broadcast_in_dim3A_65 : i32 to vector<16xi32>
    %gather3A_67 = tpu.vector_load_idx %arg7[%add3A_39, %broadcast_in_dim3A_66] : memref<64x16xf32, #tpu.memory_space<vmem>>[vector<16xi32>, vector<16xi32>], vector<16xf32>,
    %add3A_68 = arith.addf %add3A_64, %gather3A_67 : vector<16xf32>
    %broadcast_in_dim3A_69 = arith.constant 8 : i32
    %broadcast_in_dim3A_70 = vector.broadcast %broadcast_in_dim3A_69 : i32 to vector<16xi32>
    %gather3A_71 = tpu.vector_load_idx %arg7[%add3A_39, %broadcast_in_dim3A_70] : memref<64x16xf32, #tpu.memory_space<vmem>>[vector<16xi32>, vector<16xi32>], vector<16xf32>,
    %add3A_72 = arith.addf %add3A_68, %gather3A_71 : vector<16xf32>
    %broadcast_in_dim3A_73 = arith.constant 9 : i32
    %broadcast_in_dim3A_74 = vector.broadcast %broadcast_in_dim3A_73 : i32 to vector<16xi32>
    %gather3A_75 = tpu.vector_load_idx %arg7[%add3A_39, %broadcast_in_dim3A_74] : memref<64x16xf32, #tpu.memory_space<vmem>>[vector<16xi32>, vector<16xi32>], vector<16xf32>,
    %add3A_76 = arith.addf %add3A_72, %gather3A_75 : vector<16xf32>
    %broadcast_in_dim3A_77 = arith.constant 10 : i32
    %broadcast_in_dim3A_78 = vector.broadcast %broadcast_in_dim3A_77 : i32 to vector<16xi32>
    %gather3A_79 = tpu.vector_load_idx %arg7[%add3A_39, %broadcast_in_dim3A_78] : memref<64x16xf32, #tpu.memory_space<vmem>>[vector<16xi32>, vector<16xi32>], vector<16xf32>,
    %add3A_80 = arith.addf %add3A_76, %gather3A_79 : vector<16xf32>
    %broadcast_in_dim3A_81 = arith.constant 11 : i32
    %broadcast_in_dim3A_82 = vector.broadcast %broadcast_in_dim3A_81 : i32 to vector<16xi32>
    %gather3A_83 = tpu.vector_load_idx %arg7[%add3A_39, %broadcast_in_dim3A_82] : memref<64x16xf32, #tpu.memory_space<vmem>>[vector<16xi32>, vector<16xi32>], vector<16xf32>,
    %add3A_84 = arith.addf %add3A_80, %gather3A_83 : vector<16xf32>
    %broadcast_in_dim3A_85 = arith.constant 12 : i32
    %broadcast_in_dim3A_86 = vector.broadcast %broadcast_in_dim3A_85 : i32 to vector<16xi32>
    %gather3A_87 = tpu.vector_load_idx %arg7[%add3A_39, %broadcast_in_dim3A_86] : memref<64x16xf32, #tpu.memory_space<vmem>>[vector<16xi32>, vector<16xi32>], vector<16xf32>,
    %add3A_88 = arith.addf %add3A_84, %gather3A_87 : vector<16xf32>
    %broadcast_in_dim3A_89 = arith.constant 13 : i32
    %broadcast_in_dim3A_90 = vector.broadcast %broadcast_in_dim3A_89 : i32 to vector<16xi32>
    %gather3A_91 = tpu.vector_load_idx %arg7[%add3A_39, %broadcast_in_dim3A_90] : memref<64x16xf32, #tpu.memory_space<vmem>>[vector<16xi32>, vector<16xi32>], vector<16xf32>,
    %add3A_92 = arith.addf %add3A_88, %gather3A_91 : vector<16xf32>
    %broadcast_in_dim3A_93 = arith.constant 14 : i32
    %broadcast_in_dim3A_94 = vector.broadcast %broadcast_in_dim3A_93 : i32 to vector<16xi32>
    %gather3A_95 = tpu.vector_load_idx %arg7[%add3A_39, %broadcast_in_dim3A_94] : memref<64x16xf32, #tpu.memory_space<vmem>>[vector<16xi32>, vector<16xi32>], vector<16xf32>,
    %add3A_96 = arith.addf %add3A_92, %gather3A_95 : vector<16xf32>
    %broadcast_in_dim3A_97 = arith.constant 15 : i32
    %broadcast_in_dim3A_98 = vector.broadcast %broadcast_in_dim3A_97 : i32 to vector<16xi32>
    %gather3A_99 = tpu.vector_load_idx %arg7[%add3A_39, %broadcast_in_dim3A_98] : memref<64x16xf32, #tpu.memory_space<vmem>>[vector<16xi32>, vector<16xi32>], vector<16xf32>,
    %add3A_100 = arith.addf %add3A_96, %gather3A_99 : vector<16xf32>
    %ne3A_101 = arith.constant 0.000000e+00 : f32
    %ne3A_102 = vector.broadcast %ne3A_101 : f32 to vector<16xf32>
    %ne3A_103 = arith.cmpf one, %add3A_100, %ne3A_102 : vector<16xf32>
    %jit3A_104 = arith.constant 1.000000e+00 : f32
    %jit3A_105 = arith.constant 0.000000e+00 : f32
    %broadcast_in_dim3A_106 = vector.broadcast %jit3A_104 : f32 to vector<16xf32>
    %broadcast_in_dim3A_107 = vector.broadcast %jit3A_105 : f32 to vector<16xf32>
    %select_n3A_108 = arith.select %ne3A_103, %broadcast_in_dim3A_106, %broadcast_in_dim3A_107 : vector<16xi1>, vector<16xf32>
    %add3A_109 = arith.constant 16 : i32
    %add3A_110 = vector.broadcast %add3A_109 : i32 to vector<16xi32>
    %add3A_111 = arith.addi %add3A_110, %iota3A_36 : vector<16xi32>
    %broadcast_in_dim3A_112 = arith.constant 0 : i32
    %broadcast_in_dim3A_113 = vector.broadcast %broadcast_in_dim3A_112 : i32 to vector<16xi32>
    %gather3A_114 = tpu.vector_load_idx %arg7[%add3A_111, %broadcast_in_dim3A_113] : memref<64x16xf32, #tpu.memory_space<vmem>>[vector<16xi32>, vector<16xi32>], vector<16xf32>,
    %broadcast_in_dim3A_115 = arith.constant 1 : i32
    %broadcast_in_dim3A_116 = vector.broadcast %broadcast_in_dim3A_115 : i32 to vector<16xi32>
    %gather3A_117 = tpu.vector_load_idx %arg7[%add3A_111, %broadcast_in_dim3A_116] : memref<64x16xf32, #tpu.memory_space<vmem>>[vector<16xi32>, vector<16xi32>], vector<16xf32>,
    %add3A_118 = arith.addf %gather3A_114, %gather3A_117 : vector<16xf32>
    %broadcast_in_dim3A_119 = arith.constant 2 : i32
    %broadcast_in_dim3A_120 = vector.broadcast %broadcast_in_dim3A_119 : i32 to vector<16xi32>
    %gather3A_121 = tpu.vector_load_idx %arg7[%add3A_111, %broadcast_in_dim3A_120] : memref<64x16xf32, #tpu.memory_space<vmem>>[vector<16xi32>, vector<16xi32>], vector<16xf32>,
    %add3A_122 = arith.addf %add3A_118, %gather3A_121 : vector<16xf32>
    %broadcast_in_dim3A_123 = arith.constant 3 : i32
    %broadcast_in_dim3A_124 = vector.broadcast %broadcast_in_dim3A_123 : i32 to vector<16xi32>
    %gather3A_125 = tpu.vector_load_idx %arg7[%add3A_111, %broadcast_in_dim3A_124] : memref<64x16xf32, #tpu.memory_space<vmem>>[vector<16xi32>, vector<16xi32>], vector<16xf32>,
    %add3A_126 = arith.addf %add3A_122, %gather3A_125 : vector<16xf32>
    %broadcast_in_dim3A_127 = arith.constant 4 : i32
    %broadcast_in_dim3A_128 = vector.broadcast %broadcast_in_dim3A_127 : i32 to vector<16xi32>
    %gather3A_129 = tpu.vector_load_idx %arg7[%add3A_111, %broadcast_in_dim3A_128] : memref<64x16xf32, #tpu.memory_space<vmem>>[vector<16xi32>, vector<16xi32>], vector<16xf32>,
    %add3A_130 = arith.addf %add3A_126, %gather3A_129 : vector<16xf32>
    %broadcast_in_dim3A_131 = arith.constant 5 : i32
    %broadcast_in_dim3A_132 = vector.broadcast %broadcast_in_dim3A_131 : i32 to vector<16xi32>
    %gather3A_133 = tpu.vector_load_idx %arg7[%add3A_111, %broadcast_in_dim3A_132] : memref<64x16xf32, #tpu.memory_space<vmem>>[vector<16xi32>, vector<16xi32>], vector<16xf32>,
    %add3A_134 = arith.addf %add3A_130, %gather3A_133 : vector<16xf32>
    %broadcast_in_dim3A_135 = arith.constant 6 : i32
    %broadcast_in_dim3A_136 = vector.broadcast %broadcast_in_dim3A_135 : i32 to vector<16xi32>
    %gather3A_137 = tpu.vector_load_idx %arg7[%add3A_111, %broadcast_in_dim3A_136] : memref<64x16xf32, #tpu.memory_space<vmem>>[vector<16xi32>, vector<16xi32>], vector<16xf32>,
    %add3A_138 = arith.addf %add3A_134, %gather3A_137 : vector<16xf32>
    %broadcast_in_dim3A_139 = arith.constant 7 : i32
    %broadcast_in_dim3A_140 = vector.broadcast %broadcast_in_dim3A_139 : i32 to vector<16xi32>
    %gather3A_141 = tpu.vector_load_idx %arg7[%add3A_111, %broadcast_in_dim3A_140] : memref<64x16xf32, #tpu.memory_space<vmem>>[vector<16xi32>, vector<16xi32>], vector<16xf32>,
    %add3A_142 = arith.addf %add3A_138, %gather3A_141 : vector<16xf32>
    %broadcast_in_dim3A_143 = arith.constant 8 : i32
    %broadcast_in_dim3A_144 = vector.broadcast %broadcast_in_dim3A_143 : i32 to vector<16xi32>
    %gather3A_145 = tpu.vector_load_idx %arg7[%add3A_111, %broadcast_in_dim3A_144] : memref<64x16xf32, #tpu.memory_space<vmem>>[vector<16xi32>, vector<16xi32>], vector<16xf32>,
    %add3A_146 = arith.addf %add3A_142, %gather3A_145 : vector<16xf32>
    %broadcast_in_dim3A_147 = arith.constant 9 : i32
    %broadcast_in_dim3A_148 = vector.broadcast %broadcast_in_dim3A_147 : i32 to vector<16xi32>
    %gather3A_149 = tpu.vector_load_idx %arg7[%add3A_111, %broadcast_in_dim3A_148] : memref<64x16xf32, #tpu.memory_space<vmem>>[vector<16xi32>, vector<16xi32>], vector<16xf32>,
    %add3A_150 = arith.addf %add3A_146, %gather3A_149 : vector<16xf32>
    %broadcast_in_dim3A_151 = arith.constant 10 : i32
    %broadcast_in_dim3A_152 = vector.broadcast %broadcast_in_dim3A_151 : i32 to vector<16xi32>
    %gather3A_153 = tpu.vector_load_idx %arg7[%add3A_111, %broadcast_in_dim3A_152] : memref<64x16xf32, #tpu.memory_space<vmem>>[vector<16xi32>, vector<16xi32>], vector<16xf32>,
    %add3A_154 = arith.addf %add3A_150, %gather3A_153 : vector<16xf32>
    %broadcast_in_dim3A_155 = arith.constant 11 : i32
    %broadcast_in_dim3A_156 = vector.broadcast %broadcast_in_dim3A_155 : i32 to vector<16xi32>
    %gather3A_157 = tpu.vector_load_idx %arg7[%add3A_111, %broadcast_in_dim3A_156] : memref<64x16xf32, #tpu.memory_space<vmem>>[vector<16xi32>, vector<16xi32>], vector<16xf32>,
    %add3A_158 = arith.addf %add3A_154, %gather3A_157 : vector<16xf32>
    %broadcast_in_dim3A_159 = arith.constant 12 : i32
    %broadcast_in_dim3A_160 = vector.broadcast %broadcast_in_dim3A_159 : i32 to vector<16xi32>
    %gather3A_161 = tpu.vector_load_idx %arg7[%add3A_111, %broadcast_in_dim3A_160] : memref<64x16xf32, #tpu.memory_space<vmem>>[vector<16xi32>, vector<16xi32>], vector<16xf32>,
    %add3A_162 = arith.addf %add3A_158, %gather3A_161 : vector<16xf32>
    %broadcast_in_dim3A_163 = arith.constant 13 : i32
    %broadcast_in_dim3A_164 = vector.broadcast %broadcast_in_dim3A_163 : i32 to vector<16xi32>
    %gather3A_165 = tpu.vector_load_idx %arg7[%add3A_111, %broadcast_in_dim3A_164] : memref<64x16xf32, #tpu.memory_space<vmem>>[vector<16xi32>, vector<16xi32>], vector<16xf32>,
    %add3A_166 = arith.addf %add3A_162, %gather3A_165 : vector<16xf32>
    %broadcast_in_dim3A_167 = arith.constant 14 : i32
    %broadcast_in_dim3A_168 = vector.broadcast %broadcast_in_dim3A_167 : i32 to vector<16xi32>
    %gather3A_169 = tpu.vector_load_idx %arg7[%add3A_111, %broadcast_in_dim3A_168] : memref<64x16xf32, #tpu.memory_space<vmem>>[vector<16xi32>, vector<16xi32>], vector<16xf32>,
    %add3A_170 = arith.addf %add3A_166, %gather3A_169 : vector<16xf32>
    %broadcast_in_dim3A_171 = arith.constant 15 : i32
    %broadcast_in_dim3A_172 = vector.broadcast %broadcast_in_dim3A_171 : i32 to vector<16xi32>
    %gather3A_173 = tpu.vector_load_idx %arg7[%add3A_111, %broadcast_in_dim3A_172] : memref<64x16xf32, #tpu.memory_space<vmem>>[vector<16xi32>, vector<16xi32>], vector<16xf32>,
    %add3A_174 = arith.addf %add3A_170, %gather3A_173 : vector<16xf32>
    %ne3A_175 = arith.constant 0.000000e+00 : f32
    %ne3A_176 = vector.broadcast %ne3A_175 : f32 to vector<16xf32>
    %ne3A_177 = arith.cmpf one, %add3A_174, %ne3A_176 : vector<16xf32>
    %jit3A_178 = arith.constant 1.000000e+00 : f32
    %jit3A_179 = arith.constant 0.000000e+00 : f32
    %broadcast_in_dim3A_180 = vector.broadcast %jit3A_178 : f32 to vector<16xf32>
    %broadcast_in_dim3A_181 = vector.broadcast %jit3A_179 : f32 to vector<16xf32>
    %select_n3A_182 = arith.select %ne3A_177, %broadcast_in_dim3A_180, %broadcast_in_dim3A_181 : vector<16xi1>, vector<16xf32>
    %add3A_183 = arith.constant 32 : i32
    %add3A_184 = vector.broadcast %add3A_183 : i32 to vector<16xi32>
    %add3A_185 = arith.addi %add3A_184, %iota3A_36 : vector<16xi32>
    %broadcast_in_dim3A_186 = arith.constant 0 : i32
    %broadcast_in_dim3A_187 = vector.broadcast %broadcast_in_dim3A_186 : i32 to vector<16xi32>
    %gather3A_188 = tpu.vector_load_idx %arg7[%add3A_185, %broadcast_in_dim3A_187] : memref<64x16xf32, #tpu.memory_space<vmem>>[vector<16xi32>, vector<16xi32>], vector<16xf32>,
    %broadcast_in_dim3A_189 = arith.constant 1 : i32
    %broadcast_in_dim3A_190 = vector.broadcast %broadcast_in_dim3A_189 : i32 to vector<16xi32>
    %gather3A_191 = tpu.vector_load_idx %arg7[%add3A_185, %broadcast_in_dim3A_190] : memref<64x16xf32, #tpu.memory_space<vmem>>[vector<16xi32>, vector<16xi32>], vector<16xf32>,
    %add3A_192 = arith.addf %gather3A_188, %gather3A_191 : vector<16xf32>
    %broadcast_in_dim3A_193 = arith.constant 2 : i32
    %broadcast_in_dim3A_194 = vector.broadcast %broadcast_in_dim3A_193 : i32 to vector<16xi32>
    %gather3A_195 = tpu.vector_load_idx %arg7[%add3A_185, %broadcast_in_dim3A_194] : memref<64x16xf32, #tpu.memory_space<vmem>>[vector<16xi32>, vector<16xi32>], vector<16xf32>,
    %add3A_196 = arith.addf %add3A_192, %gather3A_195 : vector<16xf32>
    %broadcast_in_dim3A_197 = arith.constant 3 : i32
    %broadcast_in_dim3A_198 = vector.broadcast %broadcast_in_dim3A_197 : i32 to vector<16xi32>
    %gather3A_199 = tpu.vector_load_idx %arg7[%add3A_185, %broadcast_in_dim3A_198] : memref<64x16xf32, #tpu.memory_space<vmem>>[vector<16xi32>, vector<16xi32>], vector<16xf32>,
    %add3A_200 = arith.addf %add3A_196, %gather3A_199 : vector<16xf32>
    %broadcast_in_dim3A_201 = arith.constant 4 : i32
    %broadcast_in_dim3A_202 = vector.broadcast %broadcast_in_dim3A_201 : i32 to vector<16xi32>
    %gather3A_203 = tpu.vector_load_idx %arg7[%add3A_185, %broadcast_in_dim3A_202] : memref<64x16xf32, #tpu.memory_space<vmem>>[vector<16xi32>, vector<16xi32>], vector<16xf32>,
    %add3A_204 = arith.addf %add3A_200, %gather3A_203 : vector<16xf32>
    %broadcast_in_dim3A_205 = arith.constant 5 : i32
    %broadcast_in_dim3A_206 = vector.broadcast %broadcast_in_dim3A_205 : i32 to vector<16xi32>
    %gather3A_207 = tpu.vector_load_idx %arg7[%add3A_185, %broadcast_in_dim3A_206] : memref<64x16xf32, #tpu.memory_space<vmem>>[vector<16xi32>, vector<16xi32>], vector<16xf32>,
    %add3A_208 = arith.addf %add3A_204, %gather3A_207 : vector<16xf32>
    %broadcast_in_dim3A_209 = arith.constant 6 : i32
    %broadcast_in_dim3A_210 = vector.broadcast %broadcast_in_dim3A_209 : i32 to vector<16xi32>
    %gather3A_211 = tpu.vector_load_idx %arg7[%add3A_185, %broadcast_in_dim3A_210] : memref<64x16xf32, #tpu.memory_space<vmem>>[vector<16xi32>, vector<16xi32>], vector<16xf32>,
    %add3A_212 = arith.addf %add3A_208, %gather3A_211 : vector<16xf32>
    %broadcast_in_dim3A_213 = arith.constant 7 : i32
    %broadcast_in_dim3A_214 = vector.broadcast %broadcast_in_dim3A_213 : i32 to vector<16xi32>
    %gather3A_215 = tpu.vector_load_idx %arg7[%add3A_185, %broadcast_in_dim3A_214] : memref<64x16xf32, #tpu.memory_space<vmem>>[vector<16xi32>, vector<16xi32>], vector<16xf32>,
    %add3A_216 = arith.addf %add3A_212, %gather3A_215 : vector<16xf32>
    %broadcast_in_dim3A_217 = arith.constant 8 : i32
    %broadcast_in_dim3A_218 = vector.broadcast %broadcast_in_dim3A_217 : i32 to vector<16xi32>
    %gather3A_219 = tpu.vector_load_idx %arg7[%add3A_185, %broadcast_in_dim3A_218] : memref<64x16xf32, #tpu.memory_space<vmem>>[vector<16xi32>, vector<16xi32>], vector<16xf32>,
    %add3A_220 = arith.addf %add3A_216, %gather3A_219 : vector<16xf32>
    %broadcast_in_dim3A_221 = arith.constant 9 : i32
    %broadcast_in_dim3A_222 = vector.broadcast %broadcast_in_dim3A_221 : i32 to vector<16xi32>
    %gather3A_223 = tpu.vector_load_idx %arg7[%add3A_185, %broadcast_in_dim3A_222] : memref<64x16xf32, #tpu.memory_space<vmem>>[vector<16xi32>, vector<16xi32>], vector<16xf32>,
    %add3A_224 = arith.addf %add3A_220, %gather3A_223 : vector<16xf32>
    %broadcast_in_dim3A_225 = arith.constant 10 : i32
    %broadcast_in_dim3A_226 = vector.broadcast %broadcast_in_dim3A_225 : i32 to vector<16xi32>
    %gather3A_227 = tpu.vector_load_idx %arg7[%add3A_185, %broadcast_in_dim3A_226] : memref<64x16xf32, #tpu.memory_space<vmem>>[vector<16xi32>, vector<16xi32>], vector<16xf32>,
    %add3A_228 = arith.addf %add3A_224, %gather3A_227 : vector<16xf32>
    %broadcast_in_dim3A_229 = arith.constant 11 : i32
    %broadcast_in_dim3A_230 = vector.broadcast %broadcast_in_dim3A_229 : i32 to vector<16xi32>
    %gather3A_231 = tpu.vector_load_idx %arg7[%add3A_185, %broadcast_in_dim3A_230] : memref<64x16xf32, #tpu.memory_space<vmem>>[vector<16xi32>, vector<16xi32>], vector<16xf32>,
    %add3A_232 = arith.addf %add3A_228, %gather3A_231 : vector<16xf32>
    %broadcast_in_dim3A_233 = arith.constant 12 : i32
    %broadcast_in_dim3A_234 = vector.broadcast %broadcast_in_dim3A_233 : i32 to vector<16xi32>
    %gather3A_235 = tpu.vector_load_idx %arg7[%add3A_185, %broadcast_in_dim3A_234] : memref<64x16xf32, #tpu.memory_space<vmem>>[vector<16xi32>, vector<16xi32>], vector<16xf32>,
    %add3A_236 = arith.addf %add3A_232, %gather3A_235 : vector<16xf32>
    %broadcast_in_dim3A_237 = arith.constant 13 : i32
    %broadcast_in_dim3A_238 = vector.broadcast %broadcast_in_dim3A_237 : i32 to vector<16xi32>
    %gather3A_239 = tpu.vector_load_idx %arg7[%add3A_185, %broadcast_in_dim3A_238] : memref<64x16xf32, #tpu.memory_space<vmem>>[vector<16xi32>, vector<16xi32>], vector<16xf32>,
    %add3A_240 = arith.addf %add3A_236, %gather3A_239 : vector<16xf32>
    %broadcast_in_dim3A_241 = arith.constant 14 : i32
    %broadcast_in_dim3A_242 = vector.broadcast %broadcast_in_dim3A_241 : i32 to vector<16xi32>
    %gather3A_243 = tpu.vector_load_idx %arg7[%add3A_185, %broadcast_in_dim3A_242] : memref<64x16xf32, #tpu.memory_space<vmem>>[vector<16xi32>, vector<16xi32>], vector<16xf32>,
    %add3A_244 = arith.addf %add3A_240, %gather3A_243 : vector<16xf32>
    %broadcast_in_dim3A_245 = arith.constant 15 : i32
    %broadcast_in_dim3A_246 = vector.broadcast %broadcast_in_dim3A_245 : i32 to vector<16xi32>
    %gather3A_247 = tpu.vector_load_idx %arg7[%add3A_185, %broadcast_in_dim3A_246] : memref<64x16xf32, #tpu.memory_space<vmem>>[vector<16xi32>, vector<16xi32>], vector<16xf32>,
    %add3A_248 = arith.addf %add3A_244, %gather3A_247 : vector<16xf32>
    %ne3A_249 = arith.constant 0.000000e+00 : f32
    %ne3A_250 = vector.broadcast %ne3A_249 : f32 to vector<16xf32>
    %ne3A_251 = arith.cmpf one, %add3A_248, %ne3A_250 : vector<16xf32>
    %jit3A_252 = arith.constant 1.000000e+00 : f32
    %jit3A_253 = arith.constant 0.000000e+00 : f32
    %broadcast_in_dim3A_254 = vector.broadcast %jit3A_252 : f32 to vector<16xf32>
    %broadcast_in_dim3A_255 = vector.broadcast %jit3A_253 : f32 to vector<16xf32>
    %select_n3A_256 = arith.select %ne3A_251, %broadcast_in_dim3A_254, %broadcast_in_dim3A_255 : vector<16xi1>, vector<16xf32>
    %add3A_257 = arith.constant 48 : i32
    %add3A_258 = vector.broadcast %add3A_257 : i32 to vector<16xi32>
    %add3A_259 = arith.addi %add3A_258, %iota3A_36 : vector<16xi32>
    %broadcast_in_dim3A_260 = arith.constant 0 : i32
    %broadcast_in_dim3A_261 = vector.broadcast %broadcast_in_dim3A_260 : i32 to vector<16xi32>
    %gather3A_262 = tpu.vector_load_idx %arg7[%add3A_259, %broadcast_in_dim3A_261] : memref<64x16xf32, #tpu.memory_space<vmem>>[vector<16xi32>, vector<16xi32>], vector<16xf32>,
    %broadcast_in_dim3A_263 = arith.constant 1 : i32
    %broadcast_in_dim3A_264 = vector.broadcast %broadcast_in_dim3A_263 : i32 to vector<16xi32>
    %gather3A_265 = tpu.vector_load_idx %arg7[%add3A_259, %broadcast_in_dim3A_264] : memref<64x16xf32, #tpu.memory_space<vmem>>[vector<16xi32>, vector<16xi32>], vector<16xf32>,
    %add3A_266 = arith.addf %gather3A_262, %gather3A_265 : vector<16xf32>
    %broadcast_in_dim3A_267 = arith.constant 2 : i32
    %broadcast_in_dim3A_268 = vector.broadcast %broadcast_in_dim3A_267 : i32 to vector<16xi32>
    %gather3A_269 = tpu.vector_load_idx %arg7[%add3A_259, %broadcast_in_dim3A_268] : memref<64x16xf32, #tpu.memory_space<vmem>>[vector<16xi32>, vector<16xi32>], vector<16xf32>,
    %add3A_270 = arith.addf %add3A_266, %gather3A_269 : vector<16xf32>
    %broadcast_in_dim3A_271 = arith.constant 3 : i32
    %broadcast_in_dim3A_272 = vector.broadcast %broadcast_in_dim3A_271 : i32 to vector<16xi32>
    %gather3A_273 = tpu.vector_load_idx %arg7[%add3A_259, %broadcast_in_dim3A_272] : memref<64x16xf32, #tpu.memory_space<vmem>>[vector<16xi32>, vector<16xi32>], vector<16xf32>,
    %add3A_274 = arith.addf %add3A_270, %gather3A_273 : vector<16xf32>
    %broadcast_in_dim3A_275 = arith.constant 4 : i32
    %broadcast_in_dim3A_276 = vector.broadcast %broadcast_in_dim3A_275 : i32 to vector<16xi32>
    %gather3A_277 = tpu.vector_load_idx %arg7[%add3A_259, %broadcast_in_dim3A_276] : memref<64x16xf32, #tpu.memory_space<vmem>>[vector<16xi32>, vector<16xi32>], vector<16xf32>,
    %add3A_278 = arith.addf %add3A_274, %gather3A_277 : vector<16xf32>
    %broadcast_in_dim3A_279 = arith.constant 5 : i32
    %broadcast_in_dim3A_280 = vector.broadcast %broadcast_in_dim3A_279 : i32 to vector<16xi32>
    %gather3A_281 = tpu.vector_load_idx %arg7[%add3A_259, %broadcast_in_dim3A_280] : memref<64x16xf32, #tpu.memory_space<vmem>>[vector<16xi32>, vector<16xi32>], vector<16xf32>,
    %add3A_282 = arith.addf %add3A_278, %gather3A_281 : vector<16xf32>
    %broadcast_in_dim3A_283 = arith.constant 6 : i32
    %broadcast_in_dim3A_284 = vector.broadcast %broadcast_in_dim3A_283 : i32 to vector<16xi32>
    %gather3A_285 = tpu.vector_load_idx %arg7[%add3A_259, %broadcast_in_dim3A_284] : memref<64x16xf32, #tpu.memory_space<vmem>>[vector<16xi32>, vector<16xi32>], vector<16xf32>,
    %add3A_286 = arith.addf %add3A_282, %gather3A_285 : vector<16xf32>
    %broadcast_in_dim3A_287 = arith.constant 7 : i32
    %broadcast_in_dim3A_288 = vector.broadcast %broadcast_in_dim3A_287 : i32 to vector<16xi32>
    %gather3A_289 = tpu.vector_load_idx %arg7[%add3A_259, %broadcast_in_dim3A_288] : memref<64x16xf32, #tpu.memory_space<vmem>>[vector<16xi32>, vector<16xi32>], vector<16xf32>,
    %add3A_290 = arith.addf %add3A_286, %gather3A_289 : vector<16xf32>
    %broadcast_in_dim3A_291 = arith.constant 8 : i32
    %broadcast_in_dim3A_292 = vector.broadcast %broadcast_in_dim3A_291 : i32 to vector<16xi32>
    %gather3A_293 = tpu.vector_load_idx %arg7[%add3A_259, %broadcast_in_dim3A_292] : memref<64x16xf32, #tpu.memory_space<vmem>>[vector<16xi32>, vector<16xi32>], vector<16xf32>,
    %add3A_294 = arith.addf %add3A_290, %gather3A_293 : vector<16xf32>
    %broadcast_in_dim3A_295 = arith.constant 9 : i32
    %broadcast_in_dim3A_296 = vector.broadcast %broadcast_in_dim3A_295 : i32 to vector<16xi32>
    %gather3A_297 = tpu.vector_load_idx %arg7[%add3A_259, %broadcast_in_dim3A_296] : memref<64x16xf32, #tpu.memory_space<vmem>>[vector<16xi32>, vector<16xi32>], vector<16xf32>,
    %add3A_298 = arith.addf %add3A_294, %gather3A_297 : vector<16xf32>
    %broadcast_in_dim3A_299 = arith.constant 10 : i32
    %broadcast_in_dim3A_300 = vector.broadcast %broadcast_in_dim3A_299 : i32 to vector<16xi32>
    %gather3A_301 = tpu.vector_load_idx %arg7[%add3A_259, %broadcast_in_dim3A_300] : memref<64x16xf32, #tpu.memory_space<vmem>>[vector<16xi32>, vector<16xi32>], vector<16xf32>,
    %add3A_302 = arith.addf %add3A_298, %gather3A_301 : vector<16xf32>
    %broadcast_in_dim3A_303 = arith.constant 11 : i32
    %broadcast_in_dim3A_304 = vector.broadcast %broadcast_in_dim3A_303 : i32 to vector<16xi32>
    %gather3A_305 = tpu.vector_load_idx %arg7[%add3A_259, %broadcast_in_dim3A_304] : memref<64x16xf32, #tpu.memory_space<vmem>>[vector<16xi32>, vector<16xi32>], vector<16xf32>,
    %add3A_306 = arith.addf %add3A_302, %gather3A_305 : vector<16xf32>
    %broadcast_in_dim3A_307 = arith.constant 12 : i32
    %broadcast_in_dim3A_308 = vector.broadcast %broadcast_in_dim3A_307 : i32 to vector<16xi32>
    %gather3A_309 = tpu.vector_load_idx %arg7[%add3A_259, %broadcast_in_dim3A_308] : memref<64x16xf32, #tpu.memory_space<vmem>>[vector<16xi32>, vector<16xi32>], vector<16xf32>,
    %add3A_310 = arith.addf %add3A_306, %gather3A_309 : vector<16xf32>
    %broadcast_in_dim3A_311 = arith.constant 13 : i32
    %broadcast_in_dim3A_312 = vector.broadcast %broadcast_in_dim3A_311 : i32 to vector<16xi32>
    %gather3A_313 = tpu.vector_load_idx %arg7[%add3A_259, %broadcast_in_dim3A_312] : memref<64x16xf32, #tpu.memory_space<vmem>>[vector<16xi32>, vector<16xi32>], vector<16xf32>,
    %add3A_314 = arith.addf %add3A_310, %gather3A_313 : vector<16xf32>
    %broadcast_in_dim3A_315 = arith.constant 14 : i32
    %broadcast_in_dim3A_316 = vector.broadcast %broadcast_in_dim3A_315 : i32 to vector<16xi32>
    %gather3A_317 = tpu.vector_load_idx %arg7[%add3A_259, %broadcast_in_dim3A_316] : memref<64x16xf32, #tpu.memory_space<vmem>>[vector<16xi32>, vector<16xi32>], vector<16xf32>,
    %add3A_318 = arith.addf %add3A_314, %gather3A_317 : vector<16xf32>
    %broadcast_in_dim3A_319 = arith.constant 15 : i32
    %broadcast_in_dim3A_320 = vector.broadcast %broadcast_in_dim3A_319 : i32 to vector<16xi32>
    %gather3A_321 = tpu.vector_load_idx %arg7[%add3A_259, %broadcast_in_dim3A_320] : memref<64x16xf32, #tpu.memory_space<vmem>>[vector<16xi32>, vector<16xi32>], vector<16xf32>,
    %add3A_322 = arith.addf %add3A_318, %gather3A_321 : vector<16xf32>
    %ne3A_323 = arith.constant 0.000000e+00 : f32
    %ne3A_324 = vector.broadcast %ne3A_323 : f32 to vector<16xf32>
    %ne3A_325 = arith.cmpf one, %add3A_322, %ne3A_324 : vector<16xf32>
    %jit3A_326 = arith.constant 1.000000e+00 : f32
    %jit3A_327 = arith.constant 0.000000e+00 : f32
    %broadcast_in_dim3A_328 = vector.broadcast %jit3A_326 : f32 to vector<16xf32>
    %broadcast_in_dim3A_329 = vector.broadcast %jit3A_327 : f32 to vector<16xf32>
    %select_n3A_330 = arith.select %ne3A_325, %broadcast_in_dim3A_328, %broadcast_in_dim3A_329 : vector<16xi1>, vector<16xf32>
    %scan3A_331 = arith.constant 0 : i32
    %scan3A_332 = arith.constant 0 : i32
    %scan3A_333 = arith.constant 8 : i32
    %scan3A_334 = arith.addi %scan3A_332, %scan3A_333 : i32
    %scan3A_335 = arith.constant 1 : i32
    scf.for %scan3A_343 = %scan3A_332 to %scan3A_334 step %scan3A_335  : i32 {
      %dma_wait3A = arith.constant 0 : i32
      %dma_wait3A_344 = arith.constant 0 : i32
      %dma_wait3A_345 = tpu.memref_slice %arg5[%scan3A_343, %dma_wait3A, %dma_wait3A_344] : memref<8x8x64xf32, #tpu.memory_space<vmem>> -> memref<1x1x64xf32, #tpu.memory_space<vmem>>
      %dma_wait3A_346 = tpu.memref_squeeze %dma_wait3A_345 : memref<1x1x64xf32, #tpu.memory_space<vmem>> -> memref<64xf32, #tpu.memory_space<vmem>>
      %dma_wait3A_347 = arith.constant 0 : i32
      %dma_wait3A_348 = tpu.memref_slice %arg8[%scan3A_343, %dma_wait3A_347] : memref<8x512xi32, #tpu.memory_space<vmem>> -> memref<1x64xi32, #tpu.memory_space<vmem>>
      %dma_wait3A_349 = tpu.memref_squeeze %dma_wait3A_348 : memref<1x64xi32, #tpu.memory_space<vmem>> -> memref<64xi32, #tpu.memory_space<vmem>>
      %dma_wait3A_350 = arith.constant 0 : i32
      %dma_wait3A_351 = tpu.memref_slice %arg2[%dma_wait3A_350] : memref<16777216xf32, #tpu.memory_space<hbm>> -> memref<16777216xf32, #tpu.memory_space<hbm>>
      tpu.wait_indirect_dma semaphore(%arg9 : memref<!tpu.dma_semaphore, #tpu.memory_space<semaphore_mem>>) src(%dma_wait3A_351 : memref<16777216xf32, #tpu.memory_space<hbm>>) dst(%dma_wait3A_346 : memref<64xf32, #tpu.memory_space<vmem>>)
      %dma_wait3A_352 = arith.constant 1 : i32
      %dma_wait3A_353 = arith.constant 0 : i32
      %dma_wait3A_354 = tpu.memref_slice %arg5[%scan3A_343, %dma_wait3A_352, %dma_wait3A_353] : memref<8x8x64xf32, #tpu.memory_space<vmem>> -> memref<1x1x64xf32, #tpu.memory_space<vmem>>
      %dma_wait3A_355 = tpu.memref_squeeze %dma_wait3A_354 : memref<1x1x64xf32, #tpu.memory_space<vmem>> -> memref<64xf32, #tpu.memory_space<vmem>>
      %dma_wait3A_356 = arith.constant 64 : i32
      %dma_wait3A_357 = tpu.memref_slice %arg8[%scan3A_343, %dma_wait3A_356] : memref<8x512xi32, #tpu.memory_space<vmem>> -> memref<1x64xi32, #tpu.memory_space<vmem>>
      %dma_wait3A_358 = tpu.memref_squeeze %dma_wait3A_357 : memref<1x64xi32, #tpu.memory_space<vmem>> -> memref<64xi32, #tpu.memory_space<vmem>>
      %dma_wait3A_359 = arith.constant 0 : i32
      %dma_wait3A_360 = tpu.memref_slice %arg2[%dma_wait3A_359] : memref<16777216xf32, #tpu.memory_space<hbm>> -> memref<16777216xf32, #tpu.memory_space<hbm>>
      tpu.wait_indirect_dma semaphore(%arg9 : memref<!tpu.dma_semaphore, #tpu.memory_space<semaphore_mem>>) src(%dma_wait3A_360 : memref<16777216xf32, #tpu.memory_space<hbm>>) dst(%dma_wait3A_355 : memref<64xf32, #tpu.memory_space<vmem>>)
      %dma_wait3A_361 = arith.constant 2 : i32
      %dma_wait3A_362 = arith.constant 0 : i32
      %dma_wait3A_363 = tpu.memref_slice %arg5[%scan3A_343, %dma_wait3A_361, %dma_wait3A_362] : memref<8x8x64xf32, #tpu.memory_space<vmem>> -> memref<1x1x64xf32, #tpu.memory_space<vmem>>
      %dma_wait3A_364 = tpu.memref_squeeze %dma_wait3A_363 : memref<1x1x64xf32, #tpu.memory_space<vmem>> -> memref<64xf32, #tpu.memory_space<vmem>>
      %dma_wait3A_365 = arith.constant 128 : i32
      %dma_wait3A_366 = tpu.memref_slice %arg8[%scan3A_343, %dma_wait3A_365] : memref<8x512xi32, #tpu.memory_space<vmem>> -> memref<1x64xi32, #tpu.memory_space<vmem>>
      %dma_wait3A_367 = tpu.memref_squeeze %dma_wait3A_366 : memref<1x64xi32, #tpu.memory_space<vmem>> -> memref<64xi32, #tpu.memory_space<vmem>>
      %dma_wait3A_368 = arith.constant 0 : i32
      %dma_wait3A_369 = tpu.memref_slice %arg2[%dma_wait3A_368] : memref<16777216xf32, #tpu.memory_space<hbm>> -> memref<16777216xf32, #tpu.memory_space<hbm>>
      tpu.wait_indirect_dma semaphore(%arg9 : memref<!tpu.dma_semaphore, #tpu.memory_space<semaphore_mem>>) src(%dma_wait3A_369 : memref<16777216xf32, #tpu.memory_space<hbm>>) dst(%dma_wait3A_364 : memref<64xf32, #tpu.memory_space<vmem>>)
      %dma_wait3A_370 = arith.constant 3 : i32
      %dma_wait3A_371 = arith.constant 0 : i32
      %dma_wait3A_372 = tpu.memref_slice %arg5[%scan3A_343, %dma_wait3A_370, %dma_wait3A_371] : memref<8x8x64xf32, #tpu.memory_space<vmem>> -> memref<1x1x64xf32, #tpu.memory_space<vmem>>
      %dma_wait3A_373 = tpu.memref_squeeze %dma_wait3A_372 : memref<1x1x64xf32, #tpu.memory_space<vmem>> -> memref<64xf32, #tpu.memory_space<vmem>>
      %dma_wait3A_374 = arith.constant 192 : i32
      %dma_wait3A_375 = tpu.memref_slice %arg8[%scan3A_343, %dma_wait3A_374] : memref<8x512xi32, #tpu.memory_space<vmem>> -> memref<1x64xi32, #tpu.memory_space<vmem>>
      %dma_wait3A_376 = tpu.memref_squeeze %dma_wait3A_375 : memref<1x64xi32, #tpu.memory_space<vmem>> -> memref<64xi32, #tpu.memory_space<vmem>>
      %dma_wait3A_377 = arith.constant 0 : i32
      %dma_wait3A_378 = tpu.memref_slice %arg2[%dma_wait3A_377] : memref<16777216xf32, #tpu.memory_space<hbm>> -> memref<16777216xf32, #tpu.memory_space<hbm>>
      tpu.wait_indirect_dma semaphore(%arg9 : memref<!tpu.dma_semaphore, #tpu.memory_space<semaphore_mem>>) src(%dma_wait3A_378 : memref<16777216xf32, #tpu.memory_space<hbm>>) dst(%dma_wait3A_373 : memref<64xf32, #tpu.memory_space<vmem>>)
      %dma_wait3A_379 = arith.constant 4 : i32
      %dma_wait3A_380 = arith.constant 0 : i32
      %dma_wait3A_381 = tpu.memref_slice %arg5[%scan3A_343, %dma_wait3A_379, %dma_wait3A_380] : memref<8x8x64xf32, #tpu.memory_space<vmem>> -> memref<1x1x64xf32, #tpu.memory_space<vmem>>
      %dma_wait3A_382 = tpu.memref_squeeze %dma_wait3A_381 : memref<1x1x64xf32, #tpu.memory_space<vmem>> -> memref<64xf32, #tpu.memory_space<vmem>>
      %dma_wait3A_383 = arith.constant 256 : i32
      %dma_wait3A_384 = tpu.memref_slice %arg8[%scan3A_343, %dma_wait3A_383] : memref<8x512xi32, #tpu.memory_space<vmem>> -> memref<1x64xi32, #tpu.memory_space<vmem>>
      %dma_wait3A_385 = tpu.memref_squeeze %dma_wait3A_384 : memref<1x64xi32, #tpu.memory_space<vmem>> -> memref<64xi32, #tpu.memory_space<vmem>>
      %dma_wait3A_386 = arith.constant 0 : i32
      %dma_wait3A_387 = tpu.memref_slice %arg2[%dma_wait3A_386] : memref<16777216xf32, #tpu.memory_space<hbm>> -> memref<16777216xf32, #tpu.memory_space<hbm>>
      tpu.wait_indirect_dma semaphore(%arg9 : memref<!tpu.dma_semaphore, #tpu.memory_space<semaphore_mem>>) src(%dma_wait3A_387 : memref<16777216xf32, #tpu.memory_space<hbm>>) dst(%dma_wait3A_382 : memref<64xf32, #tpu.memory_space<vmem>>)
      %dma_wait3A_388 = arith.constant 5 : i32
      %dma_wait3A_389 = arith.constant 0 : i32
      %dma_wait3A_390 = tpu.memref_slice %arg5[%scan3A_343, %dma_wait3A_388, %dma_wait3A_389] : memref<8x8x64xf32, #tpu.memory_space<vmem>> -> memref<1x1x64xf32, #tpu.memory_space<vmem>>
      %dma_wait3A_391 = tpu.memref_squeeze %dma_wait3A_390 : memref<1x1x64xf32, #tpu.memory_space<vmem>> -> memref<64xf32, #tpu.memory_space<vmem>>
      %dma_wait3A_392 = arith.constant 320 : i32
      %dma_wait3A_393 = tpu.memref_slice %arg8[%scan3A_343, %dma_wait3A_392] : memref<8x512xi32, #tpu.memory_space<vmem>> -> memref<1x64xi32, #tpu.memory_space<vmem>>
      %dma_wait3A_394 = tpu.memref_squeeze %dma_wait3A_393 : memref<1x64xi32, #tpu.memory_space<vmem>> -> memref<64xi32, #tpu.memory_space<vmem>>
      %dma_wait3A_395 = arith.constant 0 : i32
      %dma_wait3A_396 = tpu.memref_slice %arg2[%dma_wait3A_395] : memref<16777216xf32, #tpu.memory_space<hbm>> -> memref<16777216xf32, #tpu.memory_space<hbm>>
      tpu.wait_indirect_dma semaphore(%arg9 : memref<!tpu.dma_semaphore, #tpu.memory_space<semaphore_mem>>) src(%dma_wait3A_396 : memref<16777216xf32, #tpu.memory_space<hbm>>) dst(%dma_wait3A_391 : memref<64xf32, #tpu.memory_space<vmem>>)
      %dma_wait3A_397 = arith.constant 6 : i32
      %dma_wait3A_398 = arith.constant 0 : i32
      %dma_wait3A_399 = tpu.memref_slice %arg5[%scan3A_343, %dma_wait3A_397, %dma_wait3A_398] : memref<8x8x64xf32, #tpu.memory_space<vmem>> -> memref<1x1x64xf32, #tpu.memory_space<vmem>>
      %dma_wait3A_400 = tpu.memref_squeeze %dma_wait3A_399 : memref<1x1x64xf32, #tpu.memory_space<vmem>> -> memref<64xf32, #tpu.memory_space<vmem>>
      %dma_wait3A_401 = arith.constant 384 : i32
      %dma_wait3A_402 = tpu.memref_slice %arg8[%scan3A_343, %dma_wait3A_401] : memref<8x512xi32, #tpu.memory_space<vmem>> -> memref<1x64xi32, #tpu.memory_space<vmem>>
      %dma_wait3A_403 = tpu.memref_squeeze %dma_wait3A_402 : memref<1x64xi32, #tpu.memory_space<vmem>> -> memref<64xi32, #tpu.memory_space<vmem>>
      %dma_wait3A_404 = arith.constant 0 : i32
      %dma_wait3A_405 = tpu.memref_slice %arg2[%dma_wait3A_404] : memref<16777216xf32, #tpu.memory_space<hbm>> -> memref<16777216xf32, #tpu.memory_space<hbm>>
      tpu.wait_indirect_dma semaphore(%arg9 : memref<!tpu.dma_semaphore, #tpu.memory_space<semaphore_mem>>) src(%dma_wait3A_405 : memref<16777216xf32, #tpu.memory_space<hbm>>) dst(%dma_wait3A_400 : memref<64xf32, #tpu.memory_space<vmem>>)
      %dma_wait3A_406 = arith.constant 7 : i32
      %dma_wait3A_407 = arith.constant 0 : i32
      %dma_wait3A_408 = tpu.memref_slice %arg5[%scan3A_343, %dma_wait3A_406, %dma_wait3A_407] : memref<8x8x64xf32, #tpu.memory_space<vmem>> -> memref<1x1x64xf32, #tpu.memory_space<vmem>>
      %dma_wait3A_409 = tpu.memref_squeeze %dma_wait3A_408 : memref<1x1x64xf32, #tpu.memory_space<vmem>> -> memref<64xf32, #tpu.memory_space<vmem>>
      %dma_wait3A_410 = arith.constant 448 : i32
      %dma_wait3A_411 = tpu.memref_slice %arg8[%scan3A_343, %dma_wait3A_410] : memref<8x512xi32, #tpu.memory_space<vmem>> -> memref<1x64xi32, #tpu.memory_space<vmem>>
      %dma_wait3A_412 = tpu.memref_squeeze %dma_wait3A_411 : memref<1x64xi32, #tpu.memory_space<vmem>> -> memref<64xi32, #tpu.memory_space<vmem>>
      %dma_wait3A_413 = arith.constant 0 : i32
      %dma_wait3A_414 = tpu.memref_slice %arg2[%dma_wait3A_413] : memref<16777216xf32, #tpu.memory_space<hbm>> -> memref<16777216xf32, #tpu.memory_space<hbm>>
      tpu.wait_indirect_dma semaphore(%arg9 : memref<!tpu.dma_semaphore, #tpu.memory_space<semaphore_mem>>) src(%dma_wait3A_414 : memref<16777216xf32, #tpu.memory_space<hbm>>) dst(%dma_wait3A_409 : memref<64xf32, #tpu.memory_space<vmem>>)
      %get3A = arith.constant 0 : i32
      %get3A_415 = arith.index_cast %scan3A_343 : i32 to index
      %get3A_416 = arith.index_cast %get3A : i32 to index
      %get3A_417 = arith.constant 0 : index
      %get3A_418 = tpu.vector_load %arg5[%get3A_415, %get3A_416, %get3A_417] {strides = array<i32>} : memref<8x8x64xf32, #tpu.memory_space<vmem>>, vector<16xf32>,
      %mul3A_419 = arith.mulf %get3A_418, %select_n3A_108 : vector<16xf32>
      %swap3A = arith.constant 0 : i32
      %swap3A_420 = arith.index_cast %scan3A_343 : i32 to index
      %swap3A_421 = arith.index_cast %swap3A : i32 to index
      %swap3A_422 = arith.constant 0 : index
      %swap3A_423 = tpu.vector_load %arg5[%swap3A_420, %swap3A_421, %swap3A_422] {strides = array<i32>} : memref<8x8x64xf32, #tpu.memory_space<vmem>>, vector<16xf32>,
      tpu.vector_store %arg5[%swap3A_420, %swap3A_421, %swap3A_422], %mul3A_419 {strides = array<i32>} : memref<8x8x64xf32, #tpu.memory_space<vmem>>, vector<16xf32>,
      %get3A_424 = arith.constant 0 : i32
      %get3A_425 = arith.index_cast %scan3A_343 : i32 to index
      %get3A_426 = arith.index_cast %get3A_424 : i32 to index
      %get3A_427 = arith.constant 16 : index
      %get3A_428 = tpu.vector_load %arg5[%get3A_425, %get3A_426, %get3A_427] {strides = array<i32>} : memref<8x8x64xf32, #tpu.memory_space<vmem>>, vector<16xf32>,
      %mul3A_429 = arith.mulf %get3A_428, %select_n3A_182 : vector<16xf32>
      %swap3A_430 = arith.constant 0 : i32
      %swap3A_431 = arith.index_cast %scan3A_343 : i32 to index
      %swap3A_432 = arith.index_cast %swap3A_430 : i32 to index
      %swap3A_433 = arith.constant 16 : index
      %swap3A_434 = tpu.vector_load %arg5[%swap3A_431, %swap3A_432, %swap3A_433] {strides = array<i32>} : memref<8x8x64xf32, #tpu.memory_space<vmem>>, vector<16xf32>,
      tpu.vector_store %arg5[%swap3A_431, %swap3A_432, %swap3A_433], %mul3A_429 {strides = array<i32>} : memref<8x8x64xf32, #tpu.memory_space<vmem>>, vector<16xf32>,
      %get3A_435 = arith.constant 0 : i32
      %get3A_436 = arith.index_cast %scan3A_343 : i32 to index
      %get3A_437 = arith.index_cast %get3A_435 : i32 to index
      %get3A_438 = arith.constant 32 : index
      %get3A_439 = tpu.vector_load %arg5[%get3A_436, %get3A_437, %get3A_438] {strides = array<i32>} : memref<8x8x64xf32, #tpu.memory_space<vmem>>, vector<16xf32>,
      %mul3A_440 = arith.mulf %get3A_439, %select_n3A_256 : vector<16xf32>
      %swap3A_441 = arith.constant 0 : i32
      %swap3A_442 = arith.index_cast %scan3A_343 : i32 to index
      %swap3A_443 = arith.index_cast %swap3A_441 : i32 to index
      %swap3A_444 = arith.constant 32 : index
      %swap3A_445 = tpu.vector_load %arg5[%swap3A_442, %swap3A_443, %swap3A_444] {strides = array<i32>} : memref<8x8x64xf32, #tpu.memory_space<vmem>>, vector<16xf32>,
      tpu.vector_store %arg5[%swap3A_442, %swap3A_443, %swap3A_444], %mul3A_440 {strides = array<i32>} : memref<8x8x64xf32, #tpu.memory_space<vmem>>, vector<16xf32>,
      %get3A_446 = arith.constant 0 : i32
      %get3A_447 = arith.index_cast %scan3A_343 : i32 to index
      %get3A_448 = arith.index_cast %get3A_446 : i32 to index
      %get3A_449 = arith.constant 48 : index
      %get3A_450 = tpu.vector_load %arg5[%get3A_447, %get3A_448, %get3A_449] {strides = array<i32>} : memref<8x8x64xf32, #tpu.memory_space<vmem>>, vector<16xf32>,
      %mul3A_451 = arith.mulf %get3A_450, %select_n3A_330 : vector<16xf32>
      %swap3A_452 = arith.constant 0 : i32
      %swap3A_453 = arith.index_cast %scan3A_343 : i32 to index
      %swap3A_454 = arith.index_cast %swap3A_452 : i32 to index
      %swap3A_455 = arith.constant 48 : index
      %swap3A_456 = tpu.vector_load %arg5[%swap3A_453, %swap3A_454, %swap3A_455] {strides = array<i32>} : memref<8x8x64xf32, #tpu.memory_space<vmem>>, vector<16xf32>,
      tpu.vector_store %arg5[%swap3A_453, %swap3A_454, %swap3A_455], %mul3A_451 {strides = array<i32>} : memref<8x8x64xf32, #tpu.memory_space<vmem>>, vector<16xf32>,
      %get3A_457 = arith.constant 1 : i32
      %get3A_458 = arith.index_cast %scan3A_343 : i32 to index
      %get3A_459 = arith.index_cast %get3A_457 : i32 to index
      %get3A_460 = arith.constant 0 : index
      %get3A_461 = tpu.vector_load %arg5[%get3A_458, %get3A_459, %get3A_460] {strides = array<i32>} : memref<8x8x64xf32, #tpu.memory_space<vmem>>, vector<16xf32>,
      %mul3A_462 = arith.mulf %get3A_461, %select_n3A_108 : vector<16xf32>
      %swap3A_463 = arith.constant 1 : i32
      %swap3A_464 = arith.index_cast %scan3A_343 : i32 to index
      %swap3A_465 = arith.index_cast %swap3A_463 : i32 to index
      %swap3A_466 = arith.constant 0 : index
      %swap3A_467 = tpu.vector_load %arg5[%swap3A_464, %swap3A_465, %swap3A_466] {strides = array<i32>} : memref<8x8x64xf32, #tpu.memory_space<vmem>>, vector<16xf32>,
      tpu.vector_store %arg5[%swap3A_464, %swap3A_465, %swap3A_466], %mul3A_462 {strides = array<i32>} : memref<8x8x64xf32, #tpu.memory_space<vmem>>, vector<16xf32>,
      %get3A_468 = arith.constant 1 : i32
      %get3A_469 = arith.index_cast %scan3A_343 : i32 to index
      %get3A_470 = arith.index_cast %get3A_468 : i32 to index
      %get3A_471 = arith.constant 16 : index
      %get3A_472 = tpu.vector_load %arg5[%get3A_469, %get3A_470, %get3A_471] {strides = array<i32>} : memref<8x8x64xf32, #tpu.memory_space<vmem>>, vector<16xf32>,
      %mul3A_473 = arith.mulf %get3A_472, %select_n3A_182 : vector<16xf32>
      %swap3A_474 = arith.constant 1 : i32
      %swap3A_475 = arith.index_cast %scan3A_343 : i32 to index
      %swap3A_476 = arith.index_cast %swap3A_474 : i32 to index
      %swap3A_477 = arith.constant 16 : index
      %swap3A_478 = tpu.vector_load %arg5[%swap3A_475, %swap3A_476, %swap3A_477] {strides = array<i32>} : memref<8x8x64xf32, #tpu.memory_space<vmem>>, vector<16xf32>,
      tpu.vector_store %arg5[%swap3A_475, %swap3A_476, %swap3A_477], %mul3A_473 {strides = array<i32>} : memref<8x8x64xf32, #tpu.memory_space<vmem>>, vector<16xf32>,
      %get3A_479 = arith.constant 1 : i32
      %get3A_480 = arith.index_cast %scan3A_343 : i32 to index
      %get3A_481 = arith.index_cast %get3A_479 : i32 to index
      %get3A_482 = arith.constant 32 : index
      %get3A_483 = tpu.vector_load %arg5[%get3A_480, %get3A_481, %get3A_482] {strides = array<i32>} : memref<8x8x64xf32, #tpu.memory_space<vmem>>, vector<16xf32>,
      %mul3A_484 = arith.mulf %get3A_483, %select_n3A_256 : vector<16xf32>
      %swap3A_485 = arith.constant 1 : i32
      %swap3A_486 = arith.index_cast %scan3A_343 : i32 to index
      %swap3A_487 = arith.index_cast %swap3A_485 : i32 to index
      %swap3A_488 = arith.constant 32 : index
      %swap3A_489 = tpu.vector_load %arg5[%swap3A_486, %swap3A_487, %swap3A_488] {strides = array<i32>} : memref<8x8x64xf32, #tpu.memory_space<vmem>>, vector<16xf32>,
      tpu.vector_store %arg5[%swap3A_486, %swap3A_487, %swap3A_488], %mul3A_484 {strides = array<i32>} : memref<8x8x64xf32, #tpu.memory_space<vmem>>, vector<16xf32>,
      %get3A_490 = arith.constant 1 : i32
      %get3A_491 = arith.index_cast %scan3A_343 : i32 to index
      %get3A_492 = arith.index_cast %get3A_490 : i32 to index
      %get3A_493 = arith.constant 48 : index
      %get3A_494 = tpu.vector_load %arg5[%get3A_491, %get3A_492, %get3A_493] {strides = array<i32>} : memref<8x8x64xf32, #tpu.memory_space<vmem>>, vector<16xf32>,
      %mul3A_495 = arith.mulf %get3A_494, %select_n3A_330 : vector<16xf32>
      %swap3A_496 = arith.constant 1 : i32
      %swap3A_497 = arith.index_cast %scan3A_343 : i32 to index
      %swap3A_498 = arith.index_cast %swap3A_496 : i32 to index
      %swap3A_499 = arith.constant 48 : index
      %swap3A_500 = tpu.vector_load %arg5[%swap3A_497, %swap3A_498, %swap3A_499] {strides = array<i32>} : memref<8x8x64xf32, #tpu.memory_space<vmem>>, vector<16xf32>,
      tpu.vector_store %arg5[%swap3A_497, %swap3A_498, %swap3A_499], %mul3A_495 {strides = array<i32>} : memref<8x8x64xf32, #tpu.memory_space<vmem>>, vector<16xf32>,
      %get3A_501 = arith.constant 2 : i32
      %get3A_502 = arith.index_cast %scan3A_343 : i32 to index
      %get3A_503 = arith.index_cast %get3A_501 : i32 to index
      %get3A_504 = arith.constant 0 : index
      %get3A_505 = tpu.vector_load %arg5[%get3A_502, %get3A_503, %get3A_504] {strides = array<i32>} : memref<8x8x64xf32, #tpu.memory_space<vmem>>, vector<16xf32>,
      %mul3A_506 = arith.mulf %get3A_505, %select_n3A_108 : vector<16xf32>
      %swap3A_507 = arith.constant 2 : i32
      %swap3A_508 = arith.index_cast %scan3A_343 : i32 to index
      %swap3A_509 = arith.index_cast %swap3A_507 : i32 to index
      %swap3A_510 = arith.constant 0 : index
      %swap3A_511 = tpu.vector_load %arg5[%swap3A_508, %swap3A_509, %swap3A_510] {strides = array<i32>} : memref<8x8x64xf32, #tpu.memory_space<vmem>>, vector<16xf32>,
      tpu.vector_store %arg5[%swap3A_508, %swap3A_509, %swap3A_510], %mul3A_506 {strides = array<i32>} : memref<8x8x64xf32, #tpu.memory_space<vmem>>, vector<16xf32>,
      %get3A_512 = arith.constant 2 : i32
      %get3A_513 = arith.index_cast %scan3A_343 : i32 to index
      %get3A_514 = arith.index_cast %get3A_512 : i32 to index
      %get3A_515 = arith.constant 16 : index
      %get3A_516 = tpu.vector_load %arg5[%get3A_513, %get3A_514, %get3A_515] {strides = array<i32>} : memref<8x8x64xf32, #tpu.memory_space<vmem>>, vector<16xf32>,
      %mul3A_517 = arith.mulf %get3A_516, %select_n3A_182 : vector<16xf32>
      %swap3A_518 = arith.constant 2 : i32
      %swap3A_519 = arith.index_cast %scan3A_343 : i32 to index
      %swap3A_520 = arith.index_cast %swap3A_518 : i32 to index
      %swap3A_521 = arith.constant 16 : index
      %swap3A_522 = tpu.vector_load %arg5[%swap3A_519, %swap3A_520, %swap3A_521] {strides = array<i32>} : memref<8x8x64xf32, #tpu.memory_space<vmem>>, vector<16xf32>,
      tpu.vector_store %arg5[%swap3A_519, %swap3A_520, %swap3A_521], %mul3A_517 {strides = array<i32>} : memref<8x8x64xf32, #tpu.memory_space<vmem>>, vector<16xf32>,
      %get3A_523 = arith.constant 2 : i32
      %get3A_524 = arith.index_cast %scan3A_343 : i32 to index
      %get3A_525 = arith.index_cast %get3A_523 : i32 to index
      %get3A_526 = arith.constant 32 : index
      %get3A_527 = tpu.vector_load %arg5[%get3A_524, %get3A_525, %get3A_526] {strides = array<i32>} : memref<8x8x64xf32, #tpu.memory_space<vmem>>, vector<16xf32>,
      %mul3A_528 = arith.mulf %get3A_527, %select_n3A_256 : vector<16xf32>
      %swap3A_529 = arith.constant 2 : i32
      %swap3A_530 = arith.index_cast %scan3A_343 : i32 to index
      %swap3A_531 = arith.index_cast %swap3A_529 : i32 to index
      %swap3A_532 = arith.constant 32 : index
      %swap3A_533 = tpu.vector_load %arg5[%swap3A_530, %swap3A_531, %swap3A_532] {strides = array<i32>} : memref<8x8x64xf32, #tpu.memory_space<vmem>>, vector<16xf32>,
      tpu.vector_store %arg5[%swap3A_530, %swap3A_531, %swap3A_532], %mul3A_528 {strides = array<i32>} : memref<8x8x64xf32, #tpu.memory_space<vmem>>, vector<16xf32>,
      %get3A_534 = arith.constant 2 : i32
      %get3A_535 = arith.index_cast %scan3A_343 : i32 to index
      %get3A_536 = arith.index_cast %get3A_534 : i32 to index
      %get3A_537 = arith.constant 48 : index
      %get3A_538 = tpu.vector_load %arg5[%get3A_535, %get3A_536, %get3A_537] {strides = array<i32>} : memref<8x8x64xf32, #tpu.memory_space<vmem>>, vector<16xf32>,
      %mul3A_539 = arith.mulf %get3A_538, %select_n3A_330 : vector<16xf32>
      %swap3A_540 = arith.constant 2 : i32
      %swap3A_541 = arith.index_cast %scan3A_343 : i32 to index
      %swap3A_542 = arith.index_cast %swap3A_540 : i32 to index
      %swap3A_543 = arith.constant 48 : index
      %swap3A_544 = tpu.vector_load %arg5[%swap3A_541, %swap3A_542, %swap3A_543] {strides = array<i32>} : memref<8x8x64xf32, #tpu.memory_space<vmem>>, vector<16xf32>,
      tpu.vector_store %arg5[%swap3A_541, %swap3A_542, %swap3A_543], %mul3A_539 {strides = array<i32>} : memref<8x8x64xf32, #tpu.memory_space<vmem>>, vector<16xf32>,
      %get3A_545 = arith.constant 3 : i32
      %get3A_546 = arith.index_cast %scan3A_343 : i32 to index
      %get3A_547 = arith.index_cast %get3A_545 : i32 to index
      %get3A_548 = arith.constant 0 : index
      %get3A_549 = tpu.vector_load %arg5[%get3A_546, %get3A_547, %get3A_548] {strides = array<i32>} : memref<8x8x64xf32, #tpu.memory_space<vmem>>, vector<16xf32>,
      %mul3A_550 = arith.mulf %get3A_549, %select_n3A_108 : vector<16xf32>
      %swap3A_551 = arith.constant 3 : i32
      %swap3A_552 = arith.index_cast %scan3A_343 : i32 to index
      %swap3A_553 = arith.index_cast %swap3A_551 : i32 to index
      %swap3A_554 = arith.constant 0 : index
      %swap3A_555 = tpu.vector_load %arg5[%swap3A_552, %swap3A_553, %swap3A_554] {strides = array<i32>} : memref<8x8x64xf32, #tpu.memory_space<vmem>>, vector<16xf32>,
      tpu.vector_store %arg5[%swap3A_552, %swap3A_553, %swap3A_554], %mul3A_550 {strides = array<i32>} : memref<8x8x64xf32, #tpu.memory_space<vmem>>, vector<16xf32>,
      %get3A_556 = arith.constant 3 : i32
      %get3A_557 = arith.index_cast %scan3A_343 : i32 to index
      %get3A_558 = arith.index_cast %get3A_556 : i32 to index
      %get3A_559 = arith.constant 16 : index
      %get3A_560 = tpu.vector_load %arg5[%get3A_557, %get3A_558, %get3A_559] {strides = array<i32>} : memref<8x8x64xf32, #tpu.memory_space<vmem>>, vector<16xf32>,
      %mul3A_561 = arith.mulf %get3A_560, %select_n3A_182 : vector<16xf32>
      %swap3A_562 = arith.constant 3 : i32
      %swap3A_563 = arith.index_cast %scan3A_343 : i32 to index
      %swap3A_564 = arith.index_cast %swap3A_562 : i32 to index
      %swap3A_565 = arith.constant 16 : index
      %swap3A_566 = tpu.vector_load %arg5[%swap3A_563, %swap3A_564, %swap3A_565] {strides = array<i32>} : memref<8x8x64xf32, #tpu.memory_space<vmem>>, vector<16xf32>,
      tpu.vector_store %arg5[%swap3A_563, %swap3A_564, %swap3A_565], %mul3A_561 {strides = array<i32>} : memref<8x8x64xf32, #tpu.memory_space<vmem>>, vector<16xf32>,
      %get3A_567 = arith.constant 3 : i32
      %get3A_568 = arith.index_cast %scan3A_343 : i32 to index
      %get3A_569 = arith.index_cast %get3A_567 : i32 to index
      %get3A_570 = arith.constant 32 : index
      %get3A_571 = tpu.vector_load %arg5[%get3A_568, %get3A_569, %get3A_570] {strides = array<i32>} : memref<8x8x64xf32, #tpu.memory_space<vmem>>, vector<16xf32>,
      %mul3A_572 = arith.mulf %get3A_571, %select_n3A_256 : vector<16xf32>
      %swap3A_573 = arith.constant 3 : i32
      %swap3A_574 = arith.index_cast %scan3A_343 : i32 to index
      %swap3A_575 = arith.index_cast %swap3A_573 : i32 to index
      %swap3A_576 = arith.constant 32 : index
      %swap3A_577 = tpu.vector_load %arg5[%swap3A_574, %swap3A_575, %swap3A_576] {strides = array<i32>} : memref<8x8x64xf32, #tpu.memory_space<vmem>>, vector<16xf32>,
      tpu.vector_store %arg5[%swap3A_574, %swap3A_575, %swap3A_576], %mul3A_572 {strides = array<i32>} : memref<8x8x64xf32, #tpu.memory_space<vmem>>, vector<16xf32>,
      %get3A_578 = arith.constant 3 : i32
      %get3A_579 = arith.index_cast %scan3A_343 : i32 to index
      %get3A_580 = arith.index_cast %get3A_578 : i32 to index
      %get3A_581 = arith.constant 48 : index
      %get3A_582 = tpu.vector_load %arg5[%get3A_579, %get3A_580, %get3A_581] {strides = array<i32>} : memref<8x8x64xf32, #tpu.memory_space<vmem>>, vector<16xf32>,
      %mul3A_583 = arith.mulf %get3A_582, %select_n3A_330 : vector<16xf32>
      %swap3A_584 = arith.constant 3 : i32
      %swap3A_585 = arith.index_cast %scan3A_343 : i32 to index
      %swap3A_586 = arith.index_cast %swap3A_584 : i32 to index
      %swap3A_587 = arith.constant 48 : index
      %swap3A_588 = tpu.vector_load %arg5[%swap3A_585, %swap3A_586, %swap3A_587] {strides = array<i32>} : memref<8x8x64xf32, #tpu.memory_space<vmem>>, vector<16xf32>,
      tpu.vector_store %arg5[%swap3A_585, %swap3A_586, %swap3A_587], %mul3A_583 {strides = array<i32>} : memref<8x8x64xf32, #tpu.memory_space<vmem>>, vector<16xf32>,
      %get3A_589 = arith.constant 4 : i32
      %get3A_590 = arith.index_cast %scan3A_343 : i32 to index
      %get3A_591 = arith.index_cast %get3A_589 : i32 to index
      %get3A_592 = arith.constant 0 : index
      %get3A_593 = tpu.vector_load %arg5[%get3A_590, %get3A_591, %get3A_592] {strides = array<i32>} : memref<8x8x64xf32, #tpu.memory_space<vmem>>, vector<16xf32>,
      %mul3A_594 = arith.mulf %get3A_593, %select_n3A_108 : vector<16xf32>
      %swap3A_595 = arith.constant 4 : i32
      %swap3A_596 = arith.index_cast %scan3A_343 : i32 to index
      %swap3A_597 = arith.index_cast %swap3A_595 : i32 to index
      %swap3A_598 = arith.constant 0 : index
      %swap3A_599 = tpu.vector_load %arg5[%swap3A_596, %swap3A_597, %swap3A_598] {strides = array<i32>} : memref<8x8x64xf32, #tpu.memory_space<vmem>>, vector<16xf32>,
      tpu.vector_store %arg5[%swap3A_596, %swap3A_597, %swap3A_598], %mul3A_594 {strides = array<i32>} : memref<8x8x64xf32, #tpu.memory_space<vmem>>, vector<16xf32>,
      %get3A_600 = arith.constant 4 : i32
      %get3A_601 = arith.index_cast %scan3A_343 : i32 to index
      %get3A_602 = arith.index_cast %get3A_600 : i32 to index
      %get3A_603 = arith.constant 16 : index
      %get3A_604 = tpu.vector_load %arg5[%get3A_601, %get3A_602, %get3A_603] {strides = array<i32>} : memref<8x8x64xf32, #tpu.memory_space<vmem>>, vector<16xf32>,
      %mul3A_605 = arith.mulf %get3A_604, %select_n3A_182 : vector<16xf32>
      %swap3A_606 = arith.constant 4 : i32
      %swap3A_607 = arith.index_cast %scan3A_343 : i32 to index
      %swap3A_608 = arith.index_cast %swap3A_606 : i32 to index
      %swap3A_609 = arith.constant 16 : index
      %swap3A_610 = tpu.vector_load %arg5[%swap3A_607, %swap3A_608, %swap3A_609] {strides = array<i32>} : memref<8x8x64xf32, #tpu.memory_space<vmem>>, vector<16xf32>,
      tpu.vector_store %arg5[%swap3A_607, %swap3A_608, %swap3A_609], %mul3A_605 {strides = array<i32>} : memref<8x8x64xf32, #tpu.memory_space<vmem>>, vector<16xf32>,
      %get3A_611 = arith.constant 4 : i32
      %get3A_612 = arith.index_cast %scan3A_343 : i32 to index
      %get3A_613 = arith.index_cast %get3A_611 : i32 to index
      %get3A_614 = arith.constant 32 : index
      %get3A_615 = tpu.vector_load %arg5[%get3A_612, %get3A_613, %get3A_614] {strides = array<i32>} : memref<8x8x64xf32, #tpu.memory_space<vmem>>, vector<16xf32>,
      %mul3A_616 = arith.mulf %get3A_615, %select_n3A_256 : vector<16xf32>
      %swap3A_617 = arith.constant 4 : i32
      %swap3A_618 = arith.index_cast %scan3A_343 : i32 to index
      %swap3A_619 = arith.index_cast %swap3A_617 : i32 to index
      %swap3A_620 = arith.constant 32 : index
      %swap3A_621 = tpu.vector_load %arg5[%swap3A_618, %swap3A_619, %swap3A_620] {strides = array<i32>} : memref<8x8x64xf32, #tpu.memory_space<vmem>>, vector<16xf32>,
      tpu.vector_store %arg5[%swap3A_618, %swap3A_619, %swap3A_620], %mul3A_616 {strides = array<i32>} : memref<8x8x64xf32, #tpu.memory_space<vmem>>, vector<16xf32>,
      %get3A_622 = arith.constant 4 : i32
      %get3A_623 = arith.index_cast %scan3A_343 : i32 to index
      %get3A_624 = arith.index_cast %get3A_622 : i32 to index
      %get3A_625 = arith.constant 48 : index
      %get3A_626 = tpu.vector_load %arg5[%get3A_623, %get3A_624, %get3A_625] {strides = array<i32>} : memref<8x8x64xf32, #tpu.memory_space<vmem>>, vector<16xf32>,
      %mul3A_627 = arith.mulf %get3A_626, %select_n3A_330 : vector<16xf32>
      %swap3A_628 = arith.constant 4 : i32
      %swap3A_629 = arith.index_cast %scan3A_343 : i32 to index
      %swap3A_630 = arith.index_cast %swap3A_628 : i32 to index
      %swap3A_631 = arith.constant 48 : index
      %swap3A_632 = tpu.vector_load %arg5[%swap3A_629, %swap3A_630, %swap3A_631] {strides = array<i32>} : memref<8x8x64xf32, #tpu.memory_space<vmem>>, vector<16xf32>,
      tpu.vector_store %arg5[%swap3A_629, %swap3A_630, %swap3A_631], %mul3A_627 {strides = array<i32>} : memref<8x8x64xf32, #tpu.memory_space<vmem>>, vector<16xf32>,
      %get3A_633 = arith.constant 5 : i32
      %get3A_634 = arith.index_cast %scan3A_343 : i32 to index
      %get3A_635 = arith.index_cast %get3A_633 : i32 to index
      %get3A_636 = arith.constant 0 : index
      %get3A_637 = tpu.vector_load %arg5[%get3A_634, %get3A_635, %get3A_636] {strides = array<i32>} : memref<8x8x64xf32, #tpu.memory_space<vmem>>, vector<16xf32>,
      %mul3A_638 = arith.mulf %get3A_637, %select_n3A_108 : vector<16xf32>
      %swap3A_639 = arith.constant 5 : i32
      %swap3A_640 = arith.index_cast %scan3A_343 : i32 to index
      %swap3A_641 = arith.index_cast %swap3A_639 : i32 to index
      %swap3A_642 = arith.constant 0 : index
      %swap3A_643 = tpu.vector_load %arg5[%swap3A_640, %swap3A_641, %swap3A_642] {strides = array<i32>} : memref<8x8x64xf32, #tpu.memory_space<vmem>>, vector<16xf32>,
      tpu.vector_store %arg5[%swap3A_640, %swap3A_641, %swap3A_642], %mul3A_638 {strides = array<i32>} : memref<8x8x64xf32, #tpu.memory_space<vmem>>, vector<16xf32>,
      %get3A_644 = arith.constant 5 : i32
      %get3A_645 = arith.index_cast %scan3A_343 : i32 to index
      %get3A_646 = arith.index_cast %get3A_644 : i32 to index
      %get3A_647 = arith.constant 16 : index
      %get3A_648 = tpu.vector_load %arg5[%get3A_645, %get3A_646, %get3A_647] {strides = array<i32>} : memref<8x8x64xf32, #tpu.memory_space<vmem>>, vector<16xf32>,
      %mul3A_649 = arith.mulf %get3A_648, %select_n3A_182 : vector<16xf32>
      %swap3A_650 = arith.constant 5 : i32
      %swap3A_651 = arith.index_cast %scan3A_343 : i32 to index
      %swap3A_652 = arith.index_cast %swap3A_650 : i32 to index
      %swap3A_653 = arith.constant 16 : index
      %swap3A_654 = tpu.vector_load %arg5[%swap3A_651, %swap3A_652, %swap3A_653] {strides = array<i32>} : memref<8x8x64xf32, #tpu.memory_space<vmem>>, vector<16xf32>,
      tpu.vector_store %arg5[%swap3A_651, %swap3A_652, %swap3A_653], %mul3A_649 {strides = array<i32>} : memref<8x8x64xf32, #tpu.memory_space<vmem>>, vector<16xf32>,
      %get3A_655 = arith.constant 5 : i32
      %get3A_656 = arith.index_cast %scan3A_343 : i32 to index
      %get3A_657 = arith.index_cast %get3A_655 : i32 to index
      %get3A_658 = arith.constant 32 : index
      %get3A_659 = tpu.vector_load %arg5[%get3A_656, %get3A_657, %get3A_658] {strides = array<i32>} : memref<8x8x64xf32, #tpu.memory_space<vmem>>, vector<16xf32>,
      %mul3A_660 = arith.mulf %get3A_659, %select_n3A_256 : vector<16xf32>
      %swap3A_661 = arith.constant 5 : i32
      %swap3A_662 = arith.index_cast %scan3A_343 : i32 to index
      %swap3A_663 = arith.index_cast %swap3A_661 : i32 to index
      %swap3A_664 = arith.constant 32 : index
      %swap3A_665 = tpu.vector_load %arg5[%swap3A_662, %swap3A_663, %swap3A_664] {strides = array<i32>} : memref<8x8x64xf32, #tpu.memory_space<vmem>>, vector<16xf32>,
      tpu.vector_store %arg5[%swap3A_662, %swap3A_663, %swap3A_664], %mul3A_660 {strides = array<i32>} : memref<8x8x64xf32, #tpu.memory_space<vmem>>, vector<16xf32>,
      %get3A_666 = arith.constant 5 : i32
      %get3A_667 = arith.index_cast %scan3A_343 : i32 to index
      %get3A_668 = arith.index_cast %get3A_666 : i32 to index
      %get3A_669 = arith.constant 48 : index
      %get3A_670 = tpu.vector_load %arg5[%get3A_667, %get3A_668, %get3A_669] {strides = array<i32>} : memref<8x8x64xf32, #tpu.memory_space<vmem>>, vector<16xf32>,
      %mul3A_671 = arith.mulf %get3A_670, %select_n3A_330 : vector<16xf32>
      %swap3A_672 = arith.constant 5 : i32
      %swap3A_673 = arith.index_cast %scan3A_343 : i32 to index
      %swap3A_674 = arith.index_cast %swap3A_672 : i32 to index
      %swap3A_675 = arith.constant 48 : index
      %swap3A_676 = tpu.vector_load %arg5[%swap3A_673, %swap3A_674, %swap3A_675] {strides = array<i32>} : memref<8x8x64xf32, #tpu.memory_space<vmem>>, vector<16xf32>,
      tpu.vector_store %arg5[%swap3A_673, %swap3A_674, %swap3A_675], %mul3A_671 {strides = array<i32>} : memref<8x8x64xf32, #tpu.memory_space<vmem>>, vector<16xf32>,
      %get3A_677 = arith.constant 6 : i32
      %get3A_678 = arith.index_cast %scan3A_343 : i32 to index
      %get3A_679 = arith.index_cast %get3A_677 : i32 to index
      %get3A_680 = arith.constant 0 : index
      %get3A_681 = tpu.vector_load %arg5[%get3A_678, %get3A_679, %get3A_680] {strides = array<i32>} : memref<8x8x64xf32, #tpu.memory_space<vmem>>, vector<16xf32>,
      %mul3A_682 = arith.mulf %get3A_681, %select_n3A_108 : vector<16xf32>
      %swap3A_683 = arith.constant 6 : i32
      %swap3A_684 = arith.index_cast %scan3A_343 : i32 to index
      %swap3A_685 = arith.index_cast %swap3A_683 : i32 to index
      %swap3A_686 = arith.constant 0 : index
      %swap3A_687 = tpu.vector_load %arg5[%swap3A_684, %swap3A_685, %swap3A_686] {strides = array<i32>} : memref<8x8x64xf32, #tpu.memory_space<vmem>>, vector<16xf32>,
      tpu.vector_store %arg5[%swap3A_684, %swap3A_685, %swap3A_686], %mul3A_682 {strides = array<i32>} : memref<8x8x64xf32, #tpu.memory_space<vmem>>, vector<16xf32>,
      %get3A_688 = arith.constant 6 : i32
      %get3A_689 = arith.index_cast %scan3A_343 : i32 to index
      %get3A_690 = arith.index_cast %get3A_688 : i32 to index
      %get3A_691 = arith.constant 16 : index
      %get3A_692 = tpu.vector_load %arg5[%get3A_689, %get3A_690, %get3A_691] {strides = array<i32>} : memref<8x8x64xf32, #tpu.memory_space<vmem>>, vector<16xf32>,
      %mul3A_693 = arith.mulf %get3A_692, %select_n3A_182 : vector<16xf32>
      %swap3A_694 = arith.constant 6 : i32
      %swap3A_695 = arith.index_cast %scan3A_343 : i32 to index
      %swap3A_696 = arith.index_cast %swap3A_694 : i32 to index
      %swap3A_697 = arith.constant 16 : index
      %swap3A_698 = tpu.vector_load %arg5[%swap3A_695, %swap3A_696, %swap3A_697] {strides = array<i32>} : memref<8x8x64xf32, #tpu.memory_space<vmem>>, vector<16xf32>,
      tpu.vector_store %arg5[%swap3A_695, %swap3A_696, %swap3A_697], %mul3A_693 {strides = array<i32>} : memref<8x8x64xf32, #tpu.memory_space<vmem>>, vector<16xf32>,
      %get3A_699 = arith.constant 6 : i32
      %get3A_700 = arith.index_cast %scan3A_343 : i32 to index
      %get3A_701 = arith.index_cast %get3A_699 : i32 to index
      %get3A_702 = arith.constant 32 : index
      %get3A_703 = tpu.vector_load %arg5[%get3A_700, %get3A_701, %get3A_702] {strides = array<i32>} : memref<8x8x64xf32, #tpu.memory_space<vmem>>, vector<16xf32>,
      %mul3A_704 = arith.mulf %get3A_703, %select_n3A_256 : vector<16xf32>
      %swap3A_705 = arith.constant 6 : i32
      %swap3A_706 = arith.index_cast %scan3A_343 : i32 to index
      %swap3A_707 = arith.index_cast %swap3A_705 : i32 to index
      %swap3A_708 = arith.constant 32 : index
      %swap3A_709 = tpu.vector_load %arg5[%swap3A_706, %swap3A_707, %swap3A_708] {strides = array<i32>} : memref<8x8x64xf32, #tpu.memory_space<vmem>>, vector<16xf32>,
      tpu.vector_store %arg5[%swap3A_706, %swap3A_707, %swap3A_708], %mul3A_704 {strides = array<i32>} : memref<8x8x64xf32, #tpu.memory_space<vmem>>, vector<16xf32>,
      %get3A_710 = arith.constant 6 : i32
      %get3A_711 = arith.index_cast %scan3A_343 : i32 to index
      %get3A_712 = arith.index_cast %get3A_710 : i32 to index
      %get3A_713 = arith.constant 48 : index
      %get3A_714 = tpu.vector_load %arg5[%get3A_711, %get3A_712, %get3A_713] {strides = array<i32>} : memref<8x8x64xf32, #tpu.memory_space<vmem>>, vector<16xf32>,
      %mul3A_715 = arith.mulf %get3A_714, %select_n3A_330 : vector<16xf32>
      %swap3A_716 = arith.constant 6 : i32
      %swap3A_717 = arith.index_cast %scan3A_343 : i32 to index
      %swap3A_718 = arith.index_cast %swap3A_716 : i32 to index
      %swap3A_719 = arith.constant 48 : index
      %swap3A_720 = tpu.vector_load %arg5[%swap3A_717, %swap3A_718, %swap3A_719] {strides = array<i32>} : memref<8x8x64xf32, #tpu.memory_space<vmem>>, vector<16xf32>,
      tpu.vector_store %arg5[%swap3A_717, %swap3A_718, %swap3A_719], %mul3A_715 {strides = array<i32>} : memref<8x8x64xf32, #tpu.memory_space<vmem>>, vector<16xf32>,
      %get3A_721 = arith.constant 7 : i32
      %get3A_722 = arith.index_cast %scan3A_343 : i32 to index
      %get3A_723 = arith.index_cast %get3A_721 : i32 to index
      %get3A_724 = arith.constant 0 : index
      %get3A_725 = tpu.vector_load %arg5[%get3A_722, %get3A_723, %get3A_724] {strides = array<i32>} : memref<8x8x64xf32, #tpu.memory_space<vmem>>, vector<16xf32>,
      %mul3A_726 = arith.mulf %get3A_725, %select_n3A_108 : vector<16xf32>
      %swap3A_727 = arith.constant 7 : i32
      %swap3A_728 = arith.index_cast %scan3A_343 : i32 to index
      %swap3A_729 = arith.index_cast %swap3A_727 : i32 to index
      %swap3A_730 = arith.constant 0 : index
      %swap3A_731 = tpu.vector_load %arg5[%swap3A_728, %swap3A_729, %swap3A_730] {strides = array<i32>} : memref<8x8x64xf32, #tpu.memory_space<vmem>>, vector<16xf32>,
      tpu.vector_store %arg5[%swap3A_728, %swap3A_729, %swap3A_730], %mul3A_726 {strides = array<i32>} : memref<8x8x64xf32, #tpu.memory_space<vmem>>, vector<16xf32>,
      %get3A_732 = arith.constant 7 : i32
      %get3A_733 = arith.index_cast %scan3A_343 : i32 to index
      %get3A_734 = arith.index_cast %get3A_732 : i32 to index
      %get3A_735 = arith.constant 16 : index
      %get3A_736 = tpu.vector_load %arg5[%get3A_733, %get3A_734, %get3A_735] {strides = array<i32>} : memref<8x8x64xf32, #tpu.memory_space<vmem>>, vector<16xf32>,
      %mul3A_737 = arith.mulf %get3A_736, %select_n3A_182 : vector<16xf32>
      %swap3A_738 = arith.constant 7 : i32
      %swap3A_739 = arith.index_cast %scan3A_343 : i32 to index
      %swap3A_740 = arith.index_cast %swap3A_738 : i32 to index
      %swap3A_741 = arith.constant 16 : index
      %swap3A_742 = tpu.vector_load %arg5[%swap3A_739, %swap3A_740, %swap3A_741] {strides = array<i32>} : memref<8x8x64xf32, #tpu.memory_space<vmem>>, vector<16xf32>,
      tpu.vector_store %arg5[%swap3A_739, %swap3A_740, %swap3A_741], %mul3A_737 {strides = array<i32>} : memref<8x8x64xf32, #tpu.memory_space<vmem>>, vector<16xf32>,
      %get3A_743 = arith.constant 7 : i32
      %get3A_744 = arith.index_cast %scan3A_343 : i32 to index
      %get3A_745 = arith.index_cast %get3A_743 : i32 to index
      %get3A_746 = arith.constant 32 : index
      %get3A_747 = tpu.vector_load %arg5[%get3A_744, %get3A_745, %get3A_746] {strides = array<i32>} : memref<8x8x64xf32, #tpu.memory_space<vmem>>, vector<16xf32>,
      %mul3A_748 = arith.mulf %get3A_747, %select_n3A_256 : vector<16xf32>
      %swap3A_749 = arith.constant 7 : i32
      %swap3A_750 = arith.index_cast %scan3A_343 : i32 to index
      %swap3A_751 = arith.index_cast %swap3A_749 : i32 to index
      %swap3A_752 = arith.constant 32 : index
      %swap3A_753 = tpu.vector_load %arg5[%swap3A_750, %swap3A_751, %swap3A_752] {strides = array<i32>} : memref<8x8x64xf32, #tpu.memory_space<vmem>>, vector<16xf32>,
      tpu.vector_store %arg5[%swap3A_750, %swap3A_751, %swap3A_752], %mul3A_748 {strides = array<i32>} : memref<8x8x64xf32, #tpu.memory_space<vmem>>, vector<16xf32>,
      %get3A_754 = arith.constant 7 : i32
      %get3A_755 = arith.index_cast %scan3A_343 : i32 to index
      %get3A_756 = arith.index_cast %get3A_754 : i32 to index
      %get3A_757 = arith.constant 48 : index
      %get3A_758 = tpu.vector_load %arg5[%get3A_755, %get3A_756, %get3A_757] {strides = array<i32>} : memref<8x8x64xf32, #tpu.memory_space<vmem>>, vector<16xf32>,
      %mul3A_759 = arith.mulf %get3A_758, %select_n3A_330 : vector<16xf32>
      %swap3A_760 = arith.constant 7 : i32
      %swap3A_761 = arith.index_cast %scan3A_343 : i32 to index
      %swap3A_762 = arith.index_cast %swap3A_760 : i32 to index
      %swap3A_763 = arith.constant 48 : index
      %swap3A_764 = tpu.vector_load %arg5[%swap3A_761, %swap3A_762, %swap3A_763] {strides = array<i32>} : memref<8x8x64xf32, #tpu.memory_space<vmem>>, vector<16xf32>,
      tpu.vector_store %arg5[%swap3A_761, %swap3A_762, %swap3A_763], %mul3A_759 {strides = array<i32>} : memref<8x8x64xf32, #tpu.memory_space<vmem>>, vector<16xf32>,
      %dma_start3A = arith.constant 0 : i32
      %dma_start3A_765 = arith.constant 0 : i32
      %dma_start3A_766 = tpu.memref_slice %arg5[%scan3A_343, %dma_start3A, %dma_start3A_765] : memref<8x8x64xf32, #tpu.memory_space<vmem>> -> memref<1x8x64xf32, #tpu.memory_space<vmem>>
      %dma_start3A_767 = tpu.memref_squeeze %dma_start3A_766 : memref<1x8x64xf32, #tpu.memory_space<vmem>> -> memref<8x64xf32, #tpu.memory_space<vmem>>
      %dma_start3A_768 = arith.constant 0 : i32
      %dma_start3A_769 = tpu.memref_slice %arg4[%shift_right_arithmetic3A_3, %scan3A_343, %dma_start3A_768, %multiple_of3A] : memref<16x8x8x128xf32, #tpu.memory_space<hbm>> -> memref<1x1x8x64xf32, #tpu.memory_space<hbm>>
      %dma_start3A_770 = tpu.memref_squeeze %dma_start3A_769 : memref<1x1x8x64xf32, #tpu.memory_space<hbm>> -> memref<8x64xf32, #tpu.memory_space<hbm>>
      %dma_start3A_771 = arith.constant 0 : i32
      %dma_start3A_772 = tpu.memref_slice %arg4[%shift_right_arithmetic3A_3, %scan3A_343, %dma_start3A_771, %multiple_of3A] : memref<16x8x8x128xf32, #tpu.memory_space<hbm>> -> memref<1x1x8x64xf32, #tpu.memory_space<hbm>>
      %dma_start3A_773 = tpu.memref_squeeze %dma_start3A_772 : memref<1x1x8x64xf32, #tpu.memory_space<hbm>> -> memref<8x64xf32, #tpu.memory_space<hbm>>
      %dma_start3A_774 = arith.constant 0 : i32
      %dma_start3A_775 = arith.constant 0 : i32
      %dma_start3A_776 = tpu.memref_slice %arg5[%scan3A_343, %dma_start3A_774, %dma_start3A_775] : memref<8x8x64xf32, #tpu.memory_space<vmem>> -> memref<1x8x64xf32, #tpu.memory_space<vmem>>
      %dma_start3A_777 = tpu.memref_squeeze %dma_start3A_776 : memref<1x8x64xf32, #tpu.memory_space<vmem>> -> memref<8x64xf32, #tpu.memory_space<vmem>>
      tpu.enqueue_dma source(%dma_start3A_777 : memref<8x64xf32, #tpu.memory_space<vmem>>) target(%dma_start3A_773 : memref<8x64xf32, #tpu.memory_space<hbm>>) target_semaphore(%arg10 : memref<!tpu.dma_semaphore, #tpu.memory_space<semaphore_mem>>)
    }
    %scan3A_336 = arith.constant 8 : i32
    %scan3A_337 = arith.constant 0 : i32
    %scan3A_338 = arith.constant 0 : i32
    %scan3A_339 = arith.constant 8 : i32
    %scan3A_340 = arith.addi %scan3A_338, %scan3A_339 : i32
    %scan3A_341 = arith.constant 1 : i32
    scf.for %scan3A_343 = %scan3A_338 to %scan3A_340 step %scan3A_341  : i32 {
      %dma_wait3A = arith.constant 0 : i32
      %dma_wait3A_344 = arith.constant 0 : i32
      %dma_wait3A_345 = tpu.memref_slice %arg5[%scan3A_343, %dma_wait3A, %dma_wait3A_344] : memref<8x8x64xf32, #tpu.memory_space<vmem>> -> memref<1x8x64xf32, #tpu.memory_space<vmem>>
      %dma_wait3A_346 = tpu.memref_squeeze %dma_wait3A_345 : memref<1x8x64xf32, #tpu.memory_space<vmem>> -> memref<8x64xf32, #tpu.memory_space<vmem>>
      %dma_wait3A_347 = arith.constant 0 : i32
      %dma_wait3A_348 = tpu.memref_slice %arg4[%shift_right_arithmetic3A_3, %scan3A_343, %dma_wait3A_347, %multiple_of3A] : memref<16x8x8x128xf32, #tpu.memory_space<hbm>> -> memref<1x1x8x64xf32, #tpu.memory_space<hbm>>
      %dma_wait3A_349 = tpu.memref_squeeze %dma_wait3A_348 : memref<1x1x8x64xf32, #tpu.memory_space<hbm>> -> memref<8x64xf32, #tpu.memory_space<hbm>>
      %dma_wait3A_350 = arith.constant 0 : i32
      %dma_wait3A_351 = tpu.memref_slice %arg4[%shift_right_arithmetic3A_3, %scan3A_343, %dma_wait3A_350, %multiple_of3A] : memref<16x8x8x128xf32, #tpu.memory_space<hbm>> -> memref<1x1x8x64xf32, #tpu.memory_space<hbm>>
      %dma_wait3A_352 = tpu.memref_squeeze %dma_wait3A_351 : memref<1x1x8x64xf32, #tpu.memory_space<hbm>> -> memref<8x64xf32, #tpu.memory_space<hbm>>
      %dma_wait3A_353 = arith.constant 0 : i32
      %dma_wait3A_354 = arith.constant 0 : i32
      %dma_wait3A_355 = tpu.memref_slice %arg5[%scan3A_343, %dma_wait3A_353, %dma_wait3A_354] : memref<8x8x64xf32, #tpu.memory_space<vmem>> -> memref<1x8x64xf32, #tpu.memory_space<vmem>>
      %dma_wait3A_356 = tpu.memref_squeeze %dma_wait3A_355 : memref<1x8x64xf32, #tpu.memory_space<vmem>> -> memref<8x64xf32, #tpu.memory_space<vmem>>
      tpu.wait_dma2 semaphore(%arg10 : memref<!tpu.dma_semaphore, #tpu.memory_space<semaphore_mem>>) src(%dma_wait3A_356 : memref<8x64xf32, #tpu.memory_space<vmem>>) dst(%dma_wait3A_352 : memref<8x64xf32, #tpu.memory_space<hbm>>)
    }
    %scan3A_342 = arith.constant 8 : i32
    return
  }
}

</mosaic_0001>

<sc_bundles>
// kernel: kernel.3.cloned.1.call-start
scs
__scs_entry_jumppad:
0x0: {  	(pc) =	sbr.rel $0x88, $3  }
0x1: {  	(tag) =	ssettag $0x0;
	lr =	simm.s32 $0x1  }
0x2: {  	[smem:$0x3F9F] =	sst lr;
	_ =	strace $0xD0000000  }
0x3: {  	_ = 	snop  }
0x4: {  	_ = 	snop  }
0x5: {  	_ = 	snop  }
0x6: {  	_ = 	snop  }
0x7: {  	_ = 	snop  }
__scs_overlays_trampoline_lowered:
0x8: {  	[smem:$0x3FAE] =	sst s0  }
0x9: {  	[smem:$0x3FAF] =	sst s1  }
0xa: {  	[smem:$0x3FB0] =	sst s2  }
0xb: {  	[smem:$0x3FB1] =	sst s3  }
0xc: {  	[smem:$0x3FB2] =	sst s4  }
0xd: {  	[smem:$0x3FB3] =	sst s5  }
0xe: {  	[smem:$0x3FB4] =	sst s6  }
0xf: {  	[smem:$0x3FB5] =	sst s7  }
0x10: {  	[smem:$0x3FB6] =	sst s8  }
0x11: {  	[smem:$0x3FB7] =	sst s9;
	s0 =	simm.s32 @!p0 $0x0  }
0x12: {  	s1 =	sld [smem:$0x3F9D];
	s0 =	simm.s32 @p0 $0x1  }
0x13: {  	[smem:$0x3FB8] =	sst s0;
	s0 =	simm.s32 @!p1 $0x0  }
0x14: {  	s2 =	sld [smem:$0x3F9C];
	s0 =	simm.s32 @p1 $0x1  }
0x15: {  	[smem:$0x3FB9] =	sst s0;
	s0 =	simm.s32 @!p2 $0x0  }
0x16: {  	s3 =	sld [smem:$0x3FDB];
	s0 =	simm.s32 @p2 $0x1  }
0x17: {  	s4 =	simm.s32 $0x1BF5;
	[smem:$0x3FBB] =	sst s0  }
0x18: {  	s0 =	sld [smem:$0x3F9E];
	_ =	swait.ge [sflag:s4], $0x0  }
0x19: {  	s7 =	sld [smem:$0x3F9F]  }
0x1a: {  	s8 =	sadd.s32 $0xFFFFE003, lr  }
0x1b: {  	s9 =	sadd.s32 $0xFFFFFEF7, lr;
	s5 =	simm.s32 $0xFFFFFFFF;
	p2 =	slt.u32 s8, $0xFFFFF086  }
0x1c: {  	p1 =	slt.u32 s9, $0xF7A;
	s5 =	simm.s32 @!p2 $0x0  }
0x1d: {  	s5 =	simm.s32 @p1 $0x1;
	p0 =	seq.s32 s7, s2  }
0x1e: {  	s7 =	smul.u32 @!p0 $0xF7A, s2;
	p2 =	seq.s32 @!p0 s5, $0x0  }
0x1f: {  	s9 =	smul.u32 $0xF7A, s1;
	s8 =	simm.s32 @!p0 $0x1BF5;
	p2 =	por !p2, p0  }
0x20: {  	[sflag:s8] =	ssyncset.s32 @!p0 $0xFFFFF086;
	s6 =	sadd.s32 @!p0 s3, s7;
	s7 =	simm.s32 @!p0 $0x108  }
0x21: {  	s3 =	sadd.s32 s3, s9;
	s6 =	sadd.s32 @!p0 $0x88, s6;
	s7 =	simm.s32 @p2 $0x1082  }
0x22: {  	[simem:s7], [sflag:s8] =	dma.local @!p0 [hbm:s6], $0xF7A  }
0x23: {  	s9 =	sor.u32 $0xD0000000, s2;
	s6 =	simm.s32 $0x108;
	_ =	swait.ge @!p0 [sflag:s8], $0x0  }
0x24: {  	s3 =	sadd.s32 $0x88, s3;
	s6 =	simm.s32 @!p1 $0x1082;
	[sflag:s4] =	ssyncset.s32 $0xFFFFF086  }
0x25: {  	[simem:s6], [sflag:s4] =	dma.local [hbm:s3], $0xF7A  }
0x26: {  	[smem:$0x3F9F] =	sst s1;
	(tag) =	ssettag s2;
	_ =	strace s9  }
0x27: {  	s1 =	sld [smem:$0x3FAF]  }
0x28: {  	s2 =	sld [smem:$0x3FB0]  }
0x29: {  	s4 =	sld [smem:$0x3FB2]  }
0x2a: {  	p0 =	seq.s32 s5, $0x0;
	s5 =	sld [smem:$0x3FB3]  }
0x2b: {  	s6 =	sld [smem:$0x3FB4]  }
0x2c: {  	s7 =	sld [smem:$0x3FB5]  }
0x2d: {  	s3 =	simm.s32 $0x108;
	s8 =	sld [smem:$0x3FB6]  }
0x2e: {  	s3 =	simm.s32 @!p0 $0x1082;
	s9 =	sld [smem:$0x3FB7]  }
0x2f: {  	lr =	sadd.s32 s0, s3;
	s0 =	sld [smem:$0x3FAE]  }
0x30: {  	s3 =	sld [smem:$0x3FB1]  }
0x31: {  	[smem:$0x3FBA] =	sst s10  }
0x32: {  	s10 =	sld [smem:$0x3FB8];
	_ =	sdelay $0x3  }
0x33: {  	p0 =	seq.s32 s10, $0x1;
	s10 =	sld [smem:$0x3FBA];
	_ =	sdelay $0x3  }
0x34: {  	[smem:$0x3FBA] =	sst s10  }
0x35: {  	s10 =	sld [smem:$0x3FB9];
	_ =	sdelay $0x3  }
0x36: {  	p1 =	seq.s32 s10, $0x1;
	s10 =	sld [smem:$0x3FBA];
	_ =	sdelay $0x3  }
0x37: {  	[smem:$0x3FBA] =	sst s10  }
0x38: {  	s10 =	sld [smem:$0x3FBB]  }
0x39: {  	_ = 	snop;
	(pc) =	sbr.ind lr, $3  }
0x3a: {  	_ = 	snop  }
0x3b: {  	_ = 	snop  }
0x3c: {  	p2 =	seq.s32 s10, $0x1;
	s10 =	sld [smem:$0x3FBA]  }
0x3d: {  	_ =	shalt  }
0x3e: {  	_ =	shalt  }
0x3f: {  	_ =	shalt  }
0x40: {  	_ =	shalt  }
0x41: {  	_ =	shalt  }
0x42: {  	_ =	shalt  }
0x43: {  	_ =	shalt  }
0x44: {  	_ =	shalt  }
0x45: {  	_ =	shalt  }
0x46: {  	_ =	shalt  }
0x47: {  	_ =	shalt  }
0x48: {  	_ =	shalt  }
0x49: {  	_ =	shalt  }
0x4a: {  	_ =	shalt  }
0x4b: {  	_ =	shalt  }
0x4c: {  	_ =	shalt  }
0x4d: {  	_ =	shalt  }
0x4e: {  	_ =	shalt  }
0x4f: {  	_ =	shalt  }
0x50: {  	_ =	shalt  }
0x51: {  	_ =	shalt  }
0x52: {  	_ =	shalt  }
0x53: {  	_ =	shalt  }
0x54: {  	_ =	shalt  }
0x55: {  	_ =	shalt  }
0x56: {  	_ =	shalt  }
0x57: {  	_ =	shalt  }
0x58: {  	_ =	shalt  }
0x59: {  	_ =	shalt  }
0x5a: {  	_ =	shalt  }
0x5b: {  	_ =	shalt  }
0x5c: {  	_ =	shalt  }
0x5d: {  	_ =	shalt  }
0x5e: {  	_ =	shalt  }
0x5f: {  	_ =	shalt  }
0x60: {  	_ =	shalt  }
0x61: {  	_ =	shalt  }
0x62: {  	_ =	shalt  }
0x63: {  	_ =	shalt  }
0x64: {  	_ =	shalt  }
0x65: {  	_ =	shalt  }
0x66: {  	_ =	shalt  }
0x67: {  	_ =	shalt  }
0x68: {  	_ =	shalt  }
0x69: {  	_ =	shalt  }
0x6a: {  	_ =	shalt  }
0x6b: {  	_ =	shalt  }
0x6c: {  	_ =	shalt  }
0x6d: {  	_ =	shalt  }
0x6e: {  	_ =	shalt  }
0x6f: {  	_ =	shalt  }
0x70: {  	_ =	shalt  }
0x71: {  	_ =	shalt  }
0x72: {  	_ =	shalt  }
0x73: {  	_ =	shalt  }
0x74: {  	_ =	shalt  }
0x75: {  	_ =	shalt  }
0x76: {  	_ =	shalt  }
0x77: {  	_ =	shalt  }
0x78: {  	_ =	shalt  }
0x79: {  	_ =	shalt  }
0x7a: {  	_ =	shalt  }
0x7b: {  	_ =	shalt  }
0x7c: {  	_ =	shalt  }
0x7d: {  	_ =	shalt  }
0x7e: {  	_ =	shalt  }
0x7f: {  	_ =	shalt  }
0x80: {  	_ =	shalt  }
0x81: {  	_ =	shalt  }
0x82: {  	_ =	shalt  }
0x83: {  	_ =	shalt  }
0x84: {  	_ =	shalt  }
0x85: {  	_ =	shalt  }
0x86: {  	_ =	shalt  }
0x87: {  	_ =	shalt  }
.Lfunc_end0:
.L_simem_size_0:
called_computation_lowered:
.L_overlay_start_0:
0x88: {  	s2 =	sld [smem:$0x3FD9]  }
0x89: {  	s3 =	sld [smem:$0x3FFE];
	_ =	sdelay $0x1  }
0x8a: {  	s1 =	srdreg.scid  }
0x8b: {  	s0 =	sand.u32 $0x1, s1  }
0x8c: {  	s18 =	sshll.u32 s0, $0xA;
	s2 =	sadd.s32 s3, s2  }
0x8d: {  	s2 =	sadd.s32 s2, s18  }
0x8e: {  	[smem:$0x3FC6] =	sst s2  }
0x8f: {  	_ = 	snop  }
0x90: {  	s2 =	sld [smem:$0x3FC9]  }
0x91: {  	s19 =	sld [smem:$0x3FC8]  }
0x92: {  	s4 =	sld [smem:$0x3FD0];
	(tm) =	ssettm $0x1  }
0x93: {  	s5 =	sld [smem:$0x3FFB];
	_ =	sdelay $0x3  }
0x94: {  	_ =	strace s5  }
0x95: {  	s5 =	sld [smem:$0x3FFC];
	_ =	sdelay $0x3  }
0x96: {  	_ =	strace s5  }
0x97: {  	s5 =	sld [smem:$0x3FFD];
	_ =	sdelay $0x3  }
0x98: {  	_ =	strace s5  }
0x99: {  	_ =	strace $0x8FFFFFFF  }
0x9a: {  	s20 =	sld [smem:$0x3FDB];
	_ =	sdelay $0x1  }
0x9b: {  	s6 =	simm.s32 $_scs_section_size  }
0x9c: {  	s7 =	simm.s32 $_size__tile_overlayer_lowered;
	s8 =	simm.s32 $_tile_overlayer_lowered  }
0x9d: {  	s23 =	simm.s32 $0x1BFF;
	s22 =	sshll.u32 s8, $0x1;
	s5 =	sadd.s32 s6, s20  }
0x9e: {  	s9 =	simm.s32 $0x0;
	s21 =	sshll.u32 s7, $0x1;
	s7 =	sadd.s32 s22, s5  }
0x9f: {  	[timem:s9], [sflag:s23] =	dma.local [hbm:s7], s21  }
0xa0: {  	_ =	swait.ge [sflag:s23], s21  }
0xa1: {  	s6 =	ssub.s32 $0x0, s21;
	[sflag:s23] =	ssyncset.done $0x0  }
0xa2: {  	[sflag:s23] =	ssyncadd.s32 s6;
	_ =	sdelay $0x1  }
0xa3: {  	s24 =	simm.s32 $0x1B8B  }
0xa4: {  	_ =	swait.ge [sflag:s24], $0x1  }
0xa5: {  	[sflag:s24] =	ssyncset.done $0x0  }
0xa6: {  	s25 =	simm.s32 $0x1B8E;
	[sflag:s24] =	ssyncadd.s32 $0xFFFFFFFF  }
0xa7: {  	s26 =	simm.s32 $execute0_lowered;
	[smem:$0x3FD2] =	sst s25  }
0xa8: {  	s6 =	sshll.u32 s26, $0x1;
	_ =	strace $0x80000046;
	[dreg:$0x1] =	wrdreg $0xFFFFFFFF  }
0xa9: {  	s28 =	simm.s32 $_size_execute0_lowered;
	s5 =	sadd.s32 s5, s6;
	[dreg:$0x0] =	wrdreg $0x0  }
0xaa: {  	s6 =	sshll.u32 s28, $0x1;
	[dreg:$0x2] =	wrdreg s5  }
0xab: {  	[dreg:$0x3] =	wrdreg s6  }
0xac: {  	[dreg:$0x4] =	wrdreg $0xC0  }
0xad: {  	_ =	task [dreg:s9], $0x5FFFF  }
0xae: {  	[dreg:$0x1] =	wrdreg $0xFFFFFFFF  }
0xaf: {  	[dreg:$0x0] =	wrdreg $0x60  }
0xb0: {  	[dreg:$0x2] =	wrdreg s2  }
0xb1: {  	[dreg:$0x3] =	wrdreg s19  }
0xb2: {  	[dreg:$0x4] =	wrdreg s4  }
0xb3: {  	[dreg:$0x5] =	wrdreg $0x9  }
0xb4: {  	_ =	task.clear_ibuf [dreg:s9], $0x6FFFF;
	_ =	strace $0x90000046  }
0xb5: {  	s29 =	simm.s32 $0x9;
	_ =	strace $0x80000048  }
0xb6: {  	_ =	swait.ge [sflag:s29], $0x1  }
0xb7: {  	[sflag:s29] =	ssyncadd.s32 $0xFFFFFFFF  }
0xb8: {  	_ =	strace $0x90000048  }
0xb9: {  	_ =	sfence  }
0xba: {  	s30 =	sld [smem:$0x0];
	_ =	sdelay $0x2  }
0xbb: {  	s31 =	sshll.u32 s1, $0xD;
	s1 =	sshrl.u32 s1, $0x2  }
0xbc: {  	s3 =	sand.u32 $0x4000, s31;
	s1 =	sadd.s32 s1, s30  }
0xbd: {  	s0 =	sor.u32 s3, s0;
	s1 =	sshll.u32 s1, $0x11  }
0xbe: {  	s0 =	sor.u32 s1, s0  }
0xbf: {  	s0 =	sadd.s32 $0x8F2B, s0  }
0xc0: {  	[sflag:s0] =	ssyncadd.remote.s32 $0x1  }
0xc1: {  	_ =	sfence.sel $0xFFFF  }
0xc2: {  	[dreg:$0x0] =	wrdreg $0xFFFFFFFF;
	(pc) =	sbr.abs _section_cstart, $3  }
0xc3: {  	[dreg:$0x1] =	wrdreg $0xFFFFFFFF  }
0xc4: {  	_ =	task.clear_ibuf [dreg:s9], $0x2FFFF;
	_ =	strace $0x9FFFFFFF  }
0xc5: {  	(tm) =	ssettm $0x7FFFFFFF  }
tec
execute0_lowered:
.L_overlay_start_1:
0x0: {  	(tag) =	ssettag $0x1  }
0x1: {  	v1 =	vlaneseq.u32  }
0x2: {  	v0 =	vmul.u32 $0x10, v1;
	_ =	sdelay $0x1  }
0x3: {  	v2 =	vor.u32 $0x1, v0  }
0x4: {  	[tilespmem:$0x1FC30] =	vst v2;
	v2 =	vor.u32 $0x2, v0  }
0x5: {  	[tilespmem:$0x1FC40] =	vst v2;
	v2 =	vor.u32 $0x3, v0  }
0x6: {  	[tilespmem:$0x1FC50] =	vst v2;
	v2 =	vor.u32 $0x4, v0  }
0x7: {  	[tilespmem:$0x1FC60] =	vst v2;
	v2 =	vor.u32 $0x5, v0  }
0x8: {  	[tilespmem:$0x1FC70] =	vst v2;
	v2 =	vor.u32 $0x6, v0  }
0x9: {  	[tilespmem:$0x1FC80] =	vst v2;
	v2 =	vor.u32 $0x7, v0  }
0xa: {  	[tilespmem:$0x1FC90] =	vst v2;
	v2 =	vor.u32 $0x8, v0  }
0xb: {  	[tilespmem:$0x1FCA0] =	vst v2;
	v2 =	vor.u32 $0x9, v0  }
0xc: {  	[tilespmem:$0x1FCB0] =	vst v2;
	v2 =	vor.u32 $0xA, v0  }
0xd: {  	[tilespmem:$0x1FCC0] =	vst v2;
	v2 =	vor.u32 $0xB, v0  }
0xe: {  	[tilespmem:$0x1FCD0] =	vst v2;
	v2 =	vor.u32 $0xC, v0  }
0xf: {  	[tilespmem:$0x1FCE0] =	vst v2;
	v2 =	vor.u32 $0xD, v0  }
0x10: {  	[tilespmem:$0x1FCF0] =	vst v2;
	v2 =	vor.u32 $0xE, v0  }
0x11: {  	[tilespmem:$0x1FD00] =	vst v2;
	v2 =	vor.u32 $0xF, v0  }
0x12: {  	[tilespmem:$0x1FD10] =	vst v2;
	v2 =	vor.u32 $0x100, v0  }
0x13: {  	[tilespmem:$0x1FD20] =	vst v2;
	v2 =	vor.u32 $0x101, v0  }
0x14: {  	[tilespmem:$0x1FD30] =	vst v2;
	v2 =	vor.u32 $0x102, v0  }
0x15: {  	[tilespmem:$0x1FD40] =	vst v2;
	v2 =	vor.u32 $0x103, v0  }
0x16: {  	[tilespmem:$0x1FD50] =	vst v2;
	v2 =	vor.u32 $0x104, v0  }
0x17: {  	[tilespmem:$0x1FD60] =	vst v2;
	v2 =	vor.u32 $0x105, v0  }
0x18: {  	[tilespmem:$0x1FD70] =	vst v2;
	v2 =	vor.u32 $0x106, v0  }
0x19: {  	[tilespmem:$0x1FD80] =	vst v2;
	v2 =	vor.u32 $0x107, v0  }
0x1a: {  	[tilespmem:$0x1FD90] =	vst v2;
	v2 =	vor.u32 $0x108, v0  }
0x1b: {  	[tilespmem:$0x1FDA0] =	vst v2;
	v2 =	vor.u32 $0x109, v0  }
0x1c: {  	[tilespmem:$0x1FDB0] =	vst v2;
	v2 =	vor.u32 $0x10A, v0  }
0x1d: {  	[tilespmem:$0x1FDC0] =	vst v2;
	v2 =	vor.u32 $0x10B, v0  }
0x1e: {  	[tilespmem:$0x1FDD0] =	vst v2;
	v2 =	vor.u32 $0x10C, v0  }
0x1f: {  	[tilespmem:$0x1FDE0] =	vst v2;
	v2 =	vor.u32 $0x10D, v0  }
0x20: {  	[tilespmem:$0x1FDF0] =	vst v2;
	v2 =	vor.u32 $0x10E, v0  }
0x21: {  	[tilespmem:$0x1FE00] =	vst v2;
	v2 =	vor.u32 $0x10F, v0  }
0x22: {  	[tilespmem:$0x1FE10] =	vst v2;
	v2 =	vor.u32 $0x200, v0  }
0x23: {  	[tilespmem:$0x1FE20] =	vst v2;
	v2 =	vor.u32 $0x201, v0  }
0x24: {  	[tilespmem:$0x1FE30] =	vst v2;
	v2 =	vor.u32 $0x202, v0  }
0x25: {  	[tilespmem:$0x1FE40] =	vst v2;
	v2 =	vor.u32 $0x203, v0  }
0x26: {  	s0 =	rddreg [dreg:$0x0];
	[tilespmem:$0x1FE50] =	vst v2;
	v2 =	vor.u32 $0x204, v0  }
0x27: {  	s4 =	rddreg [dreg:$0x1];
	s2 =	simm.s32 $0x0;
	[tilespmem:$0x1FE60] =	vst v2;
	v2 =	vor.u32 $0x205, v0  }
0x28: {  	[smem:$0x7FF] =	sst s2;
	[tilespmem:$0x1FE70] =	vst v2;
	v2 =	vor.u32 $0x206, v0  }
0x29: {  	s6 =	rddreg [dreg:$0x2];
	_ =	strace $0x80000047;
	[tilespmem:$0x1FE80] =	vst v2;
	v2 =	vor.u32 $0x207, v0  }
0x2a: {  	[tilespmem:$0x1FE90] =	vst v2;
	v2 =	vor.u32 $0x208, v0  }
0x2b: {  	[tilespmem:$0x1FEA0] =	vst v2;
	v2 =	vor.u32 $0x209, v0  }
0x2c: {  	[tilespmem:$0x1FEB0] =	vst v2;
	v2 =	vor.u32 $0x20A, v0  }
0x2d: {  	[tilespmem:$0x1FEC0] =	vst v2;
	v2 =	vor.u32 $0x20B, v0  }
0x2e: {  	[tilespmem:$0x1FED0] =	vst v2;
	v2 =	vor.u32 $0x20C, v0  }
0x2f: {  	[tilespmem:$0x1FEE0] =	vst v2;
	v2 =	vor.u32 $0x20D, v0  }
0x30: {  	[tilespmem:$0x1FEF0] =	vst v2;
	v2 =	vor.u32 $0x20E, v0  }
0x31: {  	[tilespmem:$0x1FF00] =	vst v2;
	v2 =	vor.u32 $0x20F, v0  }
0x32: {  	[tilespmem:$0x1FF10] =	vst v2;
	v2 =	vor.u32 $0x300, v0  }
0x33: {  	[tilespmem:$0x1FF20] =	vst v2;
	v2 =	vor.u32 $0x301, v0  }
0x34: {  	[tilespmem:$0x1FF30] =	vst v2;
	v2 =	vor.u32 $0x302, v0  }
0x35: {  	[tilespmem:$0x1FF40] =	vst v2;
	v2 =	vor.u32 $0x303, v0  }
0x36: {  	[tilespmem:$0x1FF50] =	vst v2;
	v2 =	vor.u32 $0x304, v0  }
0x37: {  	[tilespmem:$0x1FF60] =	vst v2;
	v2 =	vor.u32 $0x305, v0  }
0x38: {  	s1 =	srdreg.scid;
	s28 =	stileid.u32;
	[tilespmem:$0x1FF70] =	vst v2;
	v2 =	vor.u32 $0x306, v0  }
0x39: {  	s13 =	simm.s32 $0x2;
	s5 =	sand.u32 $0x1, s1;
	s9 =	sshll.u32 s28, $0xB;
	[tilespmem:$0x1FF80] =	vst v2;
	v2 =	vor.u32 $0x307, v0  }
0x3a: {  	s30 =	sshll.u32 s28, $0xD;
	s12 =	sshll.u32 s28, $0x14;
	s7 =	ssub.s32 $0x2, s5;
	[tilespmem:$0x1FF90] =	vst v2;
	v2 =	vor.u32 $0x308, v0  }
0x3b: {  	s29 =	sshll.u32 s5, $0x6;
	s10 =	sshll.u32 s5, $0xA;
	s11 =	smul.u32 $0x80040, s5;
	[tilespmem:$0x1FFA0] =	vst v2;
	v2 =	vor.u32 $0x309, v0  }
0x3c: {  	s8 =	sshrl.u32 s7, $0x1;
	s4 =	sadd.s32 s4, s10;
	s10 =	simm.s32 $0x3000;
	[tilespmem:$0x1FFB0] =	vst v2;
	v2 =	vor.u32 $0x30A, v0  }
0x3d: {  	s7 =	ssub.s32 s7, s8;
	s4 =	sadd.s32 s9, s4;
	s8 =	sor.u32 s29, s30;
	[tilespmem:$0x1FFC0] =	vst v2;
	v2 =	vor.u32 $0x30B, v0  }
0x3e: {  	s31 =	sor.u32 s11, s12;
	s9 =	simm.s32 $0x3;
	s11 =	simm.s32 $0x1;
	[tilespmem:$0x1FFD0] =	vst v2;
	v2 =	vor.u32 $0x30C, v0  }
0x3f: {  	s12 =	simm.s32 $0x80;
	s5 =	smax.u32 s7, $0x1;
	s8 =	sshrl.u32 s8, $0x3;
	[tilespmem:$0x1FFE0] =	vst v2;
	v2 =	vor.u32 $0x30D, v0  }
0x40: {  	v17 =	vimm.f32 $0.0e+00;
	v1 =	vmul.u32 $0x2001, v1;
	s7 =	simm.s32 $0x40;
	s6 =	sadd.s32 s8, s6;
	[dreg:$0x4] =	wrdreg s31;
	[tilespmem:$0x1FFF0] =	vst v2  }
.LBB2_1:
0x41: {  	s14 =	rddreg [dreg:$0x4]  }
0x42: {  	s16 =	simm.s32 $0x400;
	s17 =	sadd.s32 $0x0, s14  }
0x43: {  	s14 =	simm.s32 $0x0;
	s15 =	sadd.s32 $0x400A0, s17;
	s18 =	sadd.s32 $0x100, s17  }
0x44: {  	v9 =	vor.u32 s17, v1;
	s19 =	sadd.s32 $0x401A0, s17;
	s21 =	sadd.s32 $0x60230, s17;
	s20 =	sadd.s32 $0x402A0, s17  }
0x45: {  	s22 =	sadd.s32 $0x300, s17;
	s1 =	sadd.s32 $0x20110, s17;
	s3 =	sadd.s32 $0x380, s17;
	v6 =	vor.u32 s18, v1;
	v2 =	vor.u32 s19, v1;
	v8 =	vor.u32 s20, v1  }
0x46: {  	s8 =	sadd.s32 $0x20210, s17;
	s23 =	sadd.s32 $0x40220, s17;
	s24 =	sadd.s32 $0x20290, s17;
	v5 =	vor.u32 s1, v1;
	v7 =	vor.u32 s22, v1;
	v10 =	vor.u32 s3, v1  }
0x47: {  	s25 =	sadd.s32 $0x20310, s17;
	s26 =	sadd.s32 $0x20390, s17;
	v3 =	vor.u32 s8, v1;
	v4 =	vor.u32 s23, v1;
	s23 =	sadd.s32 $0x20190, s17;
	v12 =	vor.u32 s21, v1;
	[tilespmem:s14+$0x35C0] =	vst v10  }
0x48: {  	s28 =	sadd.s32 $0x603B0, s17;
	s29 =	sadd.s32 $0x20010, s17;
	s22 =	sadd.s32 $0x60130, s17;
	v11 =	vor.u32 s24, v1;
	v13 =	vor.u32 s25, v1;
	v10 =	vor.u32 s23, v1;
	[tilespmem:s14+$0x3530] =	vst v12  }
0x49: {  	s30 =	sadd.s32 $0x200, s17;
	s31 =	sadd.s32 $0x40020, s17;
	s20 =	sadd.s32 $0x180, s17;
	v15 =	vor.u32 s28, v1;
	v16 =	vor.u32 s29, v1;
	v18 =	vor.u32 s22, v1;
	[tilespmem:s14+$0x34D0] =	vst v10  }
0x4a: {  	s24 =	sadd.s32 $0x20090, s17;
	s19 =	sadd.s32 $0x600B0, s17;
	v14 =	vor.u32 s31, v1;
	s18 =	simm.s32 $0x0;
	v12 =	vor.u32 s26, v1;
	v10 =	vor.u32 s30, v1;
	[tilespmem:s14+$0x34B0] =	vst v18  }
.LBB2_2:
0x4b: {  	[tilespmem:s14+$0x3410] =	vst v16  }
0x4c: {  	[tilespmem:s14+$0x3400] =	vst v9  }
0x4d: {  	[tilespmem:s14+$0x35F0] =	vst v15  }
0x4e: {  	[tilespmem:s14+$0x3590] =	vst v13  }
0x4f: {  	[tilespmem:s14+$0x35D0] =	vst v12  }
0x50: {  	[tilespmem:s14+$0x3420] =	vst v14  }
0x51: {  	[tilespmem:s14+$0x3550] =	vst v11  }
0x52: {  	[tilespmem:s14+$0x3480] =	vst v6  }
0x53: {  	[tilespmem:s14+$0x3560] =	vst v8  }
0x54: {  	[tilespmem:s14+$0x3580] =	vst v7  }
0x55: {  	[tilespmem:s14+$0x3490] =	vst v5  }
0x56: {  	[tilespmem:s14+$0x3500] =	vst v10  }
0x57: {  	[tilespmem:s14+$0x3520] =	vst v4  }
0x58: {  	[tilespmem:s14+$0x3510] =	vst v3  }
0x59: {  	v9 =	vor.u32 s20, v1;
	[tilespmem:s14+$0x34E0] =	vst v2  }
0x5a: {  	v13 =	vor.u32 s24, v1;
	[tilespmem:s14+$0x34C0] =	vst v9  }
0x5b: {  	v4 =	vor.u32 s15, v1;
	[tilespmem:s14+$0x3450] =	vst v13  }
0x5c: {  	s25 =	sadd.s32 $0x60330, s17;
	v3 =	vor.u32 s19, v1;
	[tilespmem:s14+$0x3460] =	vst v4  }
0x5d: {  	s26 =	sadd.s32 $0x40120, s17;
	v16 =	vor.u32 s25, v1;
	[tilespmem:s14+$0x3470] =	vst v3  }
0x5e: {  	s28 =	sadd.s32 $0x280, s17;
	v9 =	vor.u32 s26, v1;
	[tilespmem:s14+$0x35B0] =	vst v16  }
0x5f: {  	s29 =	sadd.s32 $0x60030, s17;
	v13 =	vor.u32 s28, v1;
	[tilespmem:s14+$0x34A0] =	vst v9  }
0x60: {  	s30 =	sadd.s32 $0x80, s17;
	v12 =	vor.u32 s29, v1;
	[tilespmem:s14+$0x3540] =	vst v13  }
0x61: {  	s3 =	sadd.s32 $0x602B0, s17;
	v14 =	vor.u32 s30, v1;
	[tilespmem:s14+$0x3430] =	vst v12  }
0x62: {  	s1 =	sadd.s32 $0x601B0, s17;
	v11 =	vor.u32 s3, v1;
	[tilespmem:s14+$0x3440] =	vst v14  }
0x63: {  	p0 =	sne.s32 s16, $0x1C00;
	s31 =	sadd.s32 $0x40320, s17;
	v8 =	vor.u32 s1, v1;
	[tilespmem:s14+$0x3570] =	vst v11  }
0x64: {  	s18 =	sadd.s32 $0x800, s18;
	s21 =	smov.u32 s16;
	s22 =	sadd.s32 $0x403A0, s17;
	v6 =	vor.u32 s31, v1;
	[tilespmem:s14+$0x34F0] =	vst v8  }
0x65: {  	s16 =	sadd.s32 $0x400, s16;
	s24 =	sadd.s32 $0x180, s14;
	s23 =	sadd.s32 $0x1C0, s14;
	v9 =	vor.u32 s22, v1;
	[tilespmem:s14+$0x35A0] =	vst v6  }
0x66: {  	s20 =	sadd.s32 $0xC0, s14;
	s15 =	rddreg [dreg:$0x4];
	s8 =	sadd.s32 $0x3400, s14;
	[tilespmem:s14+$0x35E0] =	vst v9  }
0x67: {  	[tilespmem:s14], [sflag:$0x1] =	stream.indirect.gather [hbm4b:s0+s7], $0x1, s8, s7, $0xb8;
	[tilespmem:$0x4400] =	vst v63  }
0x68: {  	s3 =	sadd.s32 $0x40, s14;
	s17 =	sadd.s32 s21, s15;
	s21 =	sadd.s32 $0x3440, s14  }
0x69: {  	[tilespmem:s3], [sflag:$0x1] =	stream.indirect.gather [hbm4b:s0+s7], $0x1, s21, s7, $0xb8;
	[tilespmem:$0x4400] =	vst v63  }
0x6a: {  	s19 =	sadd.s32 $0x34C0, s14;
	s31 =	sadd.s32 $0x80, s14;
	s1 =	sadd.s32 $0x3480, s14  }
0x6b: {  	[tilespmem:s31], [sflag:$0x1] =	stream.indirect.gather [hbm4b:s0+s7], $0x1, s1, s7, $0xb8;
	[tilespmem:$0x4400] =	vst v63  }
0x6c: {  	s26 =	sadd.s32 $0x3540, s14;
	s25 =	sadd.s32 $0x3580, s14;
	s28 =	sadd.s32 $0x140, s14  }
0x6d: {  	[tilespmem:s20], [sflag:$0x1] =	stream.indirect.gather [hbm4b:s0+s7], $0x1, s19, s7, $0xb8;
	[tilespmem:$0x4400] =	vst v63  }
0x6e: {  	s29 =	sadd.s32 $0x3500, s14;
	s30 =	sadd.s32 $0x100, s14;
	s22 =	sadd.s32 $0x35C0, s14  }
0x6f: {  	[tilespmem:s30], [sflag:$0x1] =	stream.indirect.gather [hbm4b:s0+s7], $0x1, s29, s7, $0xb8;
	[tilespmem:$0x4400] =	vst v63  }
0x70: {  	s15 =	sadd.s32 $0x400A0, s17;
	s14 =	sshra.s32 s18, $0x2;
	s8 =	sadd.s32 $0x300, s17  }
0x71: {  	[tilespmem:s28], [sflag:$0x1] =	stream.indirect.gather [hbm4b:s0+s7], $0x1, s26, s7, $0xb8;
	[tilespmem:$0x4400] =	vst v63  }
0x72: {  	v7 =	vor.u32 s8, v1;
	s8 =	sadd.s32 $0x20290, s17;
	s3 =	sadd.s32 $0x100, s17;
	s21 =	sadd.s32 $0x401A0, s17  }
0x73: {  	[tilespmem:s24], [sflag:$0x1] =	stream.indirect.gather [hbm4b:s0+s7], $0x1, s25, s7, $0xb8;
	[tilespmem:$0x4400] =	vst v63  }
0x74: {  	v6 =	vor.u32 s3, v1;
	s3 =	sadd.s32 $0x20110, s17;
	s31 =	sadd.s32 $0x402A0, s17;
	s19 =	sadd.s32 $0x380, s17  }
0x75: {  	v9 =	vor.u32 s17, v1;
	v11 =	vor.u32 s8, v1;
	[tilespmem:s23], [sflag:$0x1] =	stream.indirect.gather [hbm4b:s0+s7], $0x1, s22, s7, $0xb8;
	[tilespmem:$0x4400] =	vst v63  }
.Ltmp0:
0x76: {  	v2 =	vor.u32 s21, v1;
	s1 =	sadd.s32 $0x60230, s17;
	v8 =	vor.u32 s31, v1;
	s31 =	sadd.s32 $0x20210, s17;
	v10 =	vor.u32 s19, v1;
	(pc) =	sbr.rel @p0 .LBB2_2-.Ltmp0, $4  }
0x77: {  	s21 =	sadd.s32 $0x20310, s17;
	v5 =	vor.u32 s3, v1;
	s3 =	sadd.s32 $0x60130, s17;
	v14 =	vor.u32 s1, v1;
	v3 =	vor.u32 s31, v1;
	s31 =	sadd.s32 $0x20190, s17;
	[tilespmem:s14+$0x35C0] =	vst v10  }
0x78: {  	v13 =	vor.u32 s21, v1;
	v18 =	vor.u32 s3, v1;
	v19 =	vor.u32 s31, v1;
	s30 =	sadd.s32 $0x40220, s17;
	s29 =	sadd.s32 $0x20010, s17;
	s26 =	sadd.s32 $0x20390, s17;
	[tilespmem:s14+$0x3530] =	vst v14  }
0x79: {  	s31 =	sadd.s32 $0x40020, s17;
	v4 =	vor.u32 s30, v1;
	s30 =	sadd.s32 $0x200, s17;
	v16 =	vor.u32 s29, v1;
	s28 =	sadd.s32 $0x603B0, s17;
	v12 =	vor.u32 s26, v1;
	[tilespmem:s14+$0x34D0] =	vst v19  }
0x7a: {  	s20 =	sadd.s32 $0x180, s17;
	s19 =	sadd.s32 $0x600B0, s17;
	v15 =	vor.u32 s28, v1;
	s24 =	sadd.s32 $0x20090, s17;
	v10 =	vor.u32 s30, v1;
	v14 =	vor.u32 s31, v1;
	[tilespmem:s14+$0x34B0] =	vst v18  }
0x7b: {  	[tilespmem:s14+$0x3410] =	vst v16  }
0x7c: {  	[tilespmem:s14+$0x3400] =	vst v9  }
0x7d: {  	[tilespmem:s14+$0x35F0] =	vst v15  }
0x7e: {  	[tilespmem:s14+$0x3590] =	vst v13  }
0x7f: {  	[tilespmem:s14+$0x35D0] =	vst v12  }
0x80: {  	[tilespmem:s14+$0x3420] =	vst v14  }
0x81: {  	[tilespmem:s14+$0x3550] =	vst v11  }
0x82: {  	[tilespmem:s14+$0x3480] =	vst v6  }
0x83: {  	[tilespmem:s14+$0x3560] =	vst v8  }
0x84: {  	[tilespmem:s14+$0x3580] =	vst v7  }
0x85: {  	[tilespmem:s14+$0x3490] =	vst v5  }
0x86: {  	[tilespmem:s14+$0x3500] =	vst v10  }
0x87: {  	[tilespmem:s14+$0x3520] =	vst v4  }
0x88: {  	[tilespmem:s14+$0x3510] =	vst v3  }
0x89: {  	v55 =	vor.u32 s20, v1;
	[tilespmem:s14+$0x34E0] =	vst v2  }
0x8a: {  	v56 =	vor.u32 s24, v1;
	[tilespmem:s14+$0x34C0] =	vst v55  }
0x8b: {  	v4 =	vor.u32 s15, v1;
	[tilespmem:s14+$0x3450] =	vst v56  }
0x8c: {  	s1 =	sadd.s32 $0x60330, s17;
	v3 =	vor.u32 s19, v1;
	[tilespmem:s14+$0x3460] =	vst v4  }
0x8d: {  	s25 =	sadd.s32 $0x40120, s17;
	v57 =	vor.u32 s1, v1;
	[tilespmem:s14+$0x3470] =	vst v3  }
0x8e: {  	s26 =	sadd.s32 $0x280, s17;
	v58 =	vor.u32 s25, v1;
	[tilespmem:s14+$0x35B0] =	vst v57  }
0x8f: {  	s28 =	sadd.s32 $0x60030, s17;
	v59 =	vor.u32 s26, v1;
	[tilespmem:s14+$0x34A0] =	vst v58  }
0x90: {  	s29 =	sadd.s32 $0x80, s17;
	v60 =	vor.u32 s28, v1;
	[tilespmem:s14+$0x3540] =	vst v59  }
0x91: {  	s3 =	sadd.s32 $0x403A0, s17;
	v61 =	vor.u32 s29, v1;
	[tilespmem:s14+$0x3430] =	vst v60  }
0x92: {  	s30 =	sadd.s32 $0x602B0, s17;
	v62 =	vor.u32 s3, v1;
	[tilespmem:s14+$0x3440] =	vst v61  }
0x93: {  	s31 =	sadd.s32 $0x601B0, s17;
	v5 =	vor.u32 s30, v1;
	[tilespmem:s14+$0x35E0] =	vst v62  }
0x94: {  	s8 =	sadd.s32 $0x40320, s17;
	v63 =	vor.u32 s31, v1;
	[tilespmem:s14+$0x3570] =	vst v5  }
0x95: {  	[tilespmem:s14+$0x34F0] =	vst v63;
	v5 =	vor.u32 s8, v1  }
0x96: {  	s15 =	sadd.s32 $0x3400, s14;
	[tilespmem:s14+$0x35A0] =	vst v5  }
0x97: {  	[tilespmem:s14], [sflag:$0x1] =	stream.indirect.gather [hbm4b:s0+s7], $0x1, s15, s7, $0xb8;
	[tilespmem:$0x4400] =	vst v63  }
0x98: {  	s16 =	sadd.s32 $0x40, s14;
	s17 =	sadd.s32 $0x3440, s14  }
0x99: {  	[tilespmem:s16], [sflag:$0x1] =	stream.indirect.gather [hbm4b:s0+s7], $0x1, s17, s7, $0xb8;
	[tilespmem:$0x4400] =	vst v63  }
0x9a: {  	s18 =	sadd.s32 $0x80, s14;
	s19 =	sadd.s32 $0x3480, s14  }
0x9b: {  	[tilespmem:s18], [sflag:$0x1] =	stream.indirect.gather [hbm4b:s0+s7], $0x1, s19, s7, $0xb8;
	[tilespmem:$0x4400] =	vst v63  }
0x9c: {  	s20 =	sadd.s32 $0xC0, s14;
	s21 =	sadd.s32 $0x34C0, s14  }
0x9d: {  	[tilespmem:s20], [sflag:$0x1] =	stream.indirect.gather [hbm4b:s0+s7], $0x1, s21, s7, $0xb8;
	[tilespmem:$0x4400] =	vst v63  }
0x9e: {  	s22 =	sadd.s32 $0x3500, s14;
	s23 =	sadd.s32 $0x100, s14  }
0x9f: {  	[tilespmem:s23], [sflag:$0x1] =	stream.indirect.gather [hbm4b:s0+s7], $0x1, s22, s7, $0xb8;
	[tilespmem:$0x4400] =	vst v63  }
0xa0: {  	s24 =	sadd.s32 $0x3540, s14;
	s25 =	sadd.s32 $0x140, s14  }
0xa1: {  	[tilespmem:s25], [sflag:$0x1] =	stream.indirect.gather [hbm4b:s0+s7], $0x1, s24, s7, $0xb8;
	[tilespmem:$0x4400] =	vst v63  }
0xa2: {  	s26 =	sadd.s32 $0x180, s14;
	s28 =	sadd.s32 $0x3580, s14  }
0xa3: {  	[tilespmem:s26], [sflag:$0x1] =	stream.indirect.gather [hbm4b:s0+s7], $0x1, s28, s7, $0xb8;
	[tilespmem:$0x4400] =	vst v63  }
0xa4: {  	s29 =	sadd.s32 $0x35C0, s14;
	s30 =	sadd.s32 $0x1C0, s14  }
0xa5: {  	[tilespmem:s30], [sflag:$0x1] =	stream.indirect.gather [hbm4b:s0+s7], $0x1, s29, s7, $0xb8;
	[tilespmem:$0x4400] =	vst v63  }
0xa6: {  	s31 =	simm.s32 $0x1000;
	s14 =	simm.s32 $0x0  }
0xa7: {  	[tilespmem:s31], [sflag:$0x3] =	stream.linear.gather [hbm4b:s4+s14], $0x2000, $0x38;
	[tilespmem:$0x4400] =	vst v63  }
0xa8: {  	_ =	swait.ge [sflag:s9], $0x2000  }
0xa9: {  	[sflag:s9] =	ssyncset.done $0x0  }
0xaa: {  	s15 =	simm.s32 $0x1040;
	[sflag:s9] =	ssyncadd.s32 $0xFFFFE000  }
0xab: {  	v2 =	vld [tilespmem:s15+$0xFFFFFFD0]  }
0xac: {  	s16 =	simm.s32 $0x40;
	v3 =	vld [tilespmem:s15+$0xFFFFFFC0]  }
.LBB2_4:
0xad: {  	p0 =	sne.s32 s16, $0xFC0  }
0xae: {  	v4 =	vld [tilespmem:s15+$0xFFFFFFE0];
	_ =	sdelay $0x1  }
0xaf: {  	v5 =	vld [tilespmem:s15+$0xFFFFFFF0]  }
0xb0: {  	v2 =	vadd.f32 v2, v3  }
0xb1: {  	v3 =	vld [tilespmem:s15+$0x0]  }
0xb2: {  	v2 =	vadd.f32 v4, v2  }
0xb3: {  	v4 =	vld [tilespmem:s15+$0x10]  }
0xb4: {  	v2 =	vadd.f32 v5, v2  }
0xb5: {  	v5 =	vld [tilespmem:s15+$0x20]  }
0xb6: {  	v2 =	vadd.f32 v3, v2  }
0xb7: {  	v3 =	vld [tilespmem:s15+$0x30]  }
0xb8: {  	v2 =	vadd.f32 v4, v2;
	_ =	sdelay $0x1  }
0xb9: {  	v2 =	vadd.f32 v5, v2;
	_ =	sdelay $0x1  }
.Ltmp1:
0xba: {  	v2 =	vadd.f32 v3, v2;
	(pc) =	sbr.rel @p0 .LBB2_4-.Ltmp1, $4  }
0xbb: {  	s1 =	sshra.s32 s14, $0x2;
	s14 =	smov.u32 s16  }
0xbc: {  	s15 =	sadd.s32 $0x80, s15;
	[tilespmem:s1+$0x3000] =	vst v2  }
0xbd: {  	v2 =	vld [tilespmem:s15+$0xFFFFFFD0]  }
0xbe: {  	s16 =	sadd.s32 $0x40, s16;
	v3 =	vld [tilespmem:s15+$0xFFFFFFC0]  }
0xbf: {  	v4 =	vld [tilespmem:s15+$0xFFFFFFE0]  }
0xc0: {  	v5 =	vld [tilespmem:s15+$0xFFFFFFF0]  }
0xc1: {  	v6 =	vld [tilespmem:$0x1FC60]  }
0xc2: {  	v7 =	vld [tilespmem:$0x1FC70]  }
0xc3: {  	v8 =	vld [tilespmem:$0x1FC80]  }
0xc4: {  	v9 =	vld [tilespmem:$0x1FC90]  }
0xc5: {  	v10 =	vld [tilespmem:$0x1FCA0]  }
0xc6: {  	v11 =	vld [tilespmem:$0x1FCB0]  }
0xc7: {  	v12 =	vld [tilespmem:$0x1FCC0]  }
0xc8: {  	v13 =	vld [tilespmem:$0x1FCD0]  }
0xc9: {  	v14 =	vld [tilespmem:$0x1FCE0]  }
0xca: {  	v15 =	vld [tilespmem:$0x1FCF0]  }
0xcb: {  	v16 =	vld [tilespmem:$0x1FD00]  }
0xcc: {  	v18 =	vld [tilespmem:$0x1FD10]  }
0xcd: {  	v19 =	vld [tilespmem:$0x1FD20]  }
0xce: {  	v20 =	vld [tilespmem:$0x1FD30]  }
0xcf: {  	v21 =	vld [tilespmem:$0x1FD40]  }
0xd0: {  	v22 =	vld [tilespmem:$0x1FD50]  }
0xd1: {  	v23 =	vld [tilespmem:$0x1FD60]  }
0xd2: {  	v24 =	vld [tilespmem:$0x1FD70]  }
0xd3: {  	v25 =	vld [tilespmem:$0x1FD80]  }
0xd4: {  	v26 =	vld [tilespmem:$0x1FD90]  }
0xd5: {  	v27 =	vld [tilespmem:$0x1FDA0]  }
0xd6: {  	v28 =	vld [tilespmem:$0x1FDB0]  }
0xd7: {  	v29 =	vld [tilespmem:$0x1FDC0]  }
0xd8: {  	v30 =	vld [tilespmem:$0x1FDD0]  }
0xd9: {  	v31 =	vld [tilespmem:$0x1FDE0]  }
0xda: {  	v32 =	vld [tilespmem:$0x1FDF0]  }
0xdb: {  	v33 =	vld [tilespmem:$0x1FE00]  }
0xdc: {  	v34 =	vld [tilespmem:$0x1FE10]  }
0xdd: {  	v35 =	vld [tilespmem:$0x1FE20]  }
0xde: {  	v36 =	vld [tilespmem:$0x1FE30]  }
0xdf: {  	v37 =	vld [tilespmem:$0x1FE40]  }
0xe0: {  	v38 =	vld [tilespmem:$0x1FE50]  }
0xe1: {  	v39 =	vld [tilespmem:$0x1FE60]  }
0xe2: {  	v40 =	vld [tilespmem:$0x1FE70]  }
0xe3: {  	v41 =	vld [tilespmem:$0x1FE80]  }
0xe4: {  	v42 =	vld [tilespmem:$0x1FE90]  }
0xe5: {  	v43 =	vld [tilespmem:$0x1FEA0]  }
0xe6: {  	v44 =	vld [tilespmem:$0x1FEB0]  }
0xe7: {  	v45 =	vld [tilespmem:$0x1FEC0]  }
0xe8: {  	v46 =	vld [tilespmem:$0x1FED0]  }
0xe9: {  	v47 =	vld [tilespmem:$0x1FEE0]  }
0xea: {  	v48 =	vld [tilespmem:$0x1FEF0]  }
0xeb: {  	v49 =	vld [tilespmem:$0x1FF00]  }
0xec: {  	v50 =	vld [tilespmem:$0x1FF10]  }
0xed: {  	v51 =	vld [tilespmem:$0x1FF20]  }
0xee: {  	v52 =	vld [tilespmem:$0x1FF30]  }
0xef: {  	v53 =	vld [tilespmem:$0x1FF40]  }
0xf0: {  	v54 =	vld [tilespmem:$0x1FF50];
	v2 =	vadd.f32 v2, v3  }
0xf1: {  	v3 =	vld [tilespmem:s15+$0x0]  }
0xf2: {  	v55 =	vld [tilespmem:$0x1FF60];
	v2 =	vadd.f32 v4, v2  }
0xf3: {  	v4 =	vld [tilespmem:s15+$0x10]  }
0xf4: {  	v56 =	vld [tilespmem:$0x1FF70];
	v2 =	vadd.f32 v5, v2  }
0xf5: {  	v5 =	vld [tilespmem:s15+$0x20]  }
0xf6: {  	v57 =	vld [tilespmem:$0x1FF80];
	v2 =	vadd.f32 v3, v2  }
0xf7: {  	v3 =	vld [tilespmem:s15+$0x30]  }
0xf8: {  	v58 =	vld [tilespmem:$0x1FF90];
	v2 =	vadd.f32 v4, v2  }
0xf9: {  	v59 =	vld [tilespmem:$0x1FFA0]  }
0xfa: {  	v60 =	vld [tilespmem:$0x1FFB0];
	v2 =	vadd.f32 v5, v2  }
0xfb: {  	v63 =	vld [tilespmem:$0x1FFD0]  }
0xfc: {  	v4 =	vld [tilespmem:$0x1FC40];
	v2 =	vadd.f32 v3, v2  }
0xfd: {  	s1 =	sshra.s32 s14, $0x2;
	v5 =	vld [tilespmem:$0x1FC50]  }
0xfe: {  	v3 =	vld [tilespmem:$0x1FC30];
	[tilespmem:s1+$0x3000] =	vst v2  }
0xff: {  	v2 =	vld.idx.msk [tilespmem:v0+s10+$0x0], $0xffff  }
0x100: {  	v6 =	vld.idx.msk [tilespmem:v6+s10+$0x0], $0xffff  }
0x101: {  	v7 =	vld.idx.msk [tilespmem:v7+s10+$0x0], $0xffff  }
0x102: {  	v8 =	vld.idx.msk [tilespmem:v8+s10+$0x0], $0xffff  }
0x103: {  	v9 =	vld.idx.msk [tilespmem:v9+s10+$0x0], $0xffff  }
0x104: {  	v10 =	vld.idx.msk [tilespmem:v10+s10+$0x0], $0xffff  }
0x105: {  	v11 =	vld.idx.msk [tilespmem:v11+s10+$0x0], $0xffff  }
0x106: {  	v12 =	vld.idx.msk [tilespmem:v12+s10+$0x0], $0xffff  }
0x107: {  	v13 =	vld.idx.msk [tilespmem:v13+s10+$0x0], $0xffff  }
0x108: {  	v14 =	vld.idx.msk [tilespmem:v14+s10+$0x0], $0xffff  }
0x109: {  	v15 =	vld.idx.msk [tilespmem:v15+s10+$0x0], $0xffff  }
0x10a: {  	v16 =	vld.idx.msk [tilespmem:v16+s10+$0x0], $0xffff  }
0x10b: {  	v18 =	vld.idx.msk [tilespmem:v18+s10+$0x0], $0xffff  }
0x10c: {  	v19 =	vld.idx.msk [tilespmem:v19+s10+$0x0], $0xffff  }
0x10d: {  	v20 =	vld.idx.msk [tilespmem:v20+s10+$0x0], $0xffff  }
0x10e: {  	v21 =	vld.idx.msk [tilespmem:v21+s10+$0x0], $0xffff  }
0x10f: {  	v22 =	vld.idx.msk [tilespmem:v22+s10+$0x0], $0xffff  }
0x110: {  	v23 =	vld.idx.msk [tilespmem:v23+s10+$0x0], $0xffff  }
0x111: {  	v24 =	vld.idx.msk [tilespmem:v24+s10+$0x0], $0xffff  }
0x112: {  	v25 =	vld.idx.msk [tilespmem:v25+s10+$0x0], $0xffff  }
0x113: {  	v26 =	vld.idx.msk [tilespmem:v26+s10+$0x0], $0xffff  }
0x114: {  	v27 =	vld.idx.msk [tilespmem:v27+s10+$0x0], $0xffff  }
0x115: {  	v28 =	vld.idx.msk [tilespmem:v28+s10+$0x0], $0xffff  }
0x116: {  	v29 =	vld.idx.msk [tilespmem:v29+s10+$0x0], $0xffff  }
0x117: {  	v30 =	vld.idx.msk [tilespmem:v30+s10+$0x0], $0xffff  }
0x118: {  	v31 =	vld.idx.msk [tilespmem:v31+s10+$0x0], $0xffff  }
0x119: {  	v32 =	vld.idx.msk [tilespmem:v32+s10+$0x0], $0xffff  }
0x11a: {  	v33 =	vld.idx.msk [tilespmem:v33+s10+$0x0], $0xffff  }
0x11b: {  	v34 =	vld.idx.msk [tilespmem:v34+s10+$0x0], $0xffff  }
0x11c: {  	v35 =	vld.idx.msk [tilespmem:v35+s10+$0x0], $0xffff  }
0x11d: {  	v36 =	vld.idx.msk [tilespmem:v36+s10+$0x0], $0xffff  }
0x11e: {  	v37 =	vld.idx.msk [tilespmem:v37+s10+$0x0], $0xffff  }
0x11f: {  	v38 =	vld.idx.msk [tilespmem:v38+s10+$0x0], $0xffff  }
0x120: {  	v39 =	vld.idx.msk [tilespmem:v39+s10+$0x0], $0xffff  }
0x121: {  	v40 =	vld.idx.msk [tilespmem:v40+s10+$0x0], $0xffff  }
0x122: {  	v41 =	vld.idx.msk [tilespmem:v41+s10+$0x0], $0xffff  }
0x123: {  	v42 =	vld.idx.msk [tilespmem:v42+s10+$0x0], $0xffff  }
0x124: {  	v43 =	vld.idx.msk [tilespmem:v43+s10+$0x0], $0xffff  }
0x125: {  	v44 =	vld.idx.msk [tilespmem:v44+s10+$0x0], $0xffff  }
0x126: {  	v45 =	vld.idx.msk [tilespmem:v45+s10+$0x0], $0xffff  }
0x127: {  	v46 =	vld.idx.msk [tilespmem:v46+s10+$0x0], $0xffff  }
0x128: {  	v47 =	vld.idx.msk [tilespmem:v47+s10+$0x0], $0xffff  }
0x129: {  	v48 =	vld.idx.msk [tilespmem:v48+s10+$0x0], $0xffff  }
0x12a: {  	v49 =	vld.idx.msk [tilespmem:v49+s10+$0x0], $0xffff  }
0x12b: {  	v50 =	vld.idx.msk [tilespmem:v50+s10+$0x0], $0xffff  }
0x12c: {  	v51 =	vld.idx.msk [tilespmem:v51+s10+$0x0], $0xffff  }
0x12d: {  	v52 =	vld.idx.msk [tilespmem:v52+s10+$0x0], $0xffff  }
0x12e: {  	v53 =	vld.idx.msk [tilespmem:v53+s10+$0x0], $0xffff  }
0x12f: {  	v54 =	vld.idx.msk [tilespmem:v54+s10+$0x0], $0xffff  }
0x130: {  	v55 =	vld.idx.msk [tilespmem:v55+s10+$0x0], $0xffff  }
0x131: {  	v56 =	vld.idx.msk [tilespmem:v56+s10+$0x0], $0xffff  }
0x132: {  	v3 =	vld.idx.msk [tilespmem:v3+s10+$0x0], $0xffff  }
0x133: {  	v57 =	vld.idx.msk [tilespmem:v57+s10+$0x0], $0xffff  }
0x134: {  	v4 =	vld.idx.msk [tilespmem:v4+s10+$0x0], $0xffff  }
0x135: {  	v58 =	vld.idx.msk [tilespmem:v58+s10+$0x0], $0xffff  }
0x136: {  	v51 =	vadd.f32 v52, v51;
	v52 =	vld [tilespmem:$0x1FFF0]  }
0x137: {  	v59 =	vld.idx.msk [tilespmem:v59+s10+$0x0], $0xffff;
	v2 =	vadd.f32 v3, v2  }
0x138: {  	v62 =	vor.u32 $0x30F, v0;
	v3 =	vld [tilespmem:$0x1FFC0]  }
0x139: {  	v2 =	vadd.f32 v4, v2;
	v4 =	vld [tilespmem:$0x1FFE0]  }
0x13a: {  	v61 =	vor.u32 $0x30E, v0;
	v5 =	vld.idx.msk [tilespmem:v5+s10+$0x0], $0xffff  }
0x13b: {  	v60 =	vld.idx.msk [tilespmem:v60+s10+$0x0], $0xffff  }
0x13c: {  	v63 =	vld.idx.msk [tilespmem:v63+s10+$0x0], $0xffff  }
0x13d: {  	v62 =	vld.idx.msk [tilespmem:v62+s10+$0x0], $0xffff  }
0x13e: {  	v52 =	vld.idx.msk [tilespmem:v52+s10+$0x0], $0xffff  }
0x13f: {  	v2 =	vadd.f32 v5, v2;
	v5 =	vadd.f32 v36, v35;
	v35 =	vld.idx.msk [tilespmem:v61+s10+$0x0], $0xffff  }
0x140: {  	v19 =	vadd.f32 v20, v19;
	v61 =	vadd.f32 v53, v51;
	v3 =	vld.idx.msk [tilespmem:v3+s10+$0x0], $0xffff  }
0x141: {  	v2 =	vadd.f32 v6, v2;
	v5 =	vadd.f32 v37, v5;
	v4 =	vld.idx.msk [tilespmem:v4+s10+$0x0], $0xffff;
	_ =	swait.ge [sflag:s11], $0x40  }
0x142: {  	v6 =	vadd.f32 v21, v19;
	v19 =	vadd.f32 v54, v61;
	[sflag:s11] =	ssyncset.done $0x0  }
0x143: {  	v2 =	vadd.f32 v7, v2;
	v5 =	vadd.f32 v38, v5;
	[sflag:s11] =	ssyncadd.s32 $0xFFFFFFC0  }
0x144: {  	v6 =	vadd.f32 v22, v6;
	v7 =	vadd.f32 v55, v19;
	_ =	swait.ge [sflag:s11], $0x40  }
0x145: {  	v2 =	vadd.f32 v8, v2;
	v5 =	vadd.f32 v39, v5;
	[sflag:s11] =	ssyncset.done $0x0  }
0x146: {  	v6 =	vadd.f32 v23, v6;
	v7 =	vadd.f32 v56, v7;
	[sflag:s11] =	ssyncadd.s32 $0xFFFFFFC0  }
0x147: {  	v2 =	vadd.f32 v9, v2;
	v5 =	vadd.f32 v40, v5;
	_ =	swait.ge [sflag:s11], $0x40  }
0x148: {  	v6 =	vadd.f32 v24, v6;
	v7 =	vadd.f32 v57, v7;
	[sflag:s11] =	ssyncset.done $0x0  }
0x149: {  	v2 =	vadd.f32 v10, v2;
	v5 =	vadd.f32 v41, v5;
	[sflag:s11] =	ssyncadd.s32 $0xFFFFFFC0  }
0x14a: {  	v6 =	vadd.f32 v25, v6;
	v7 =	vadd.f32 v58, v7;
	_ =	swait.ge [sflag:s11], $0x40  }
0x14b: {  	v2 =	vadd.f32 v11, v2;
	v5 =	vadd.f32 v42, v5;
	[sflag:s11] =	ssyncset.done $0x0  }
0x14c: {  	v6 =	vadd.f32 v26, v6;
	v7 =	vadd.f32 v59, v7;
	[sflag:s11] =	ssyncadd.s32 $0xFFFFFFC0  }
0x14d: {  	v2 =	vadd.f32 v12, v2;
	v5 =	vadd.f32 v43, v5;
	_ =	swait.ge [sflag:s11], $0x40  }
0x14e: {  	v6 =	vadd.f32 v27, v6;
	v7 =	vadd.f32 v60, v7;
	[sflag:s11] =	ssyncset.done $0x0  }
0x14f: {  	v2 =	vadd.f32 v13, v2;
	v5 =	vadd.f32 v44, v5;
	[sflag:s11] =	ssyncadd.s32 $0xFFFFFFC0  }
0x150: {  	v6 =	vadd.f32 v28, v6;
	v3 =	vadd.f32 v3, v7;
	_ =	swait.ge [sflag:s11], $0x40  }
0x151: {  	v2 =	vadd.f32 v14, v2;
	v5 =	vadd.f32 v45, v5;
	[sflag:s11] =	ssyncset.done $0x0  }
0x152: {  	v6 =	vadd.f32 v29, v6;
	v3 =	vadd.f32 v63, v3;
	[sflag:s11] =	ssyncadd.s32 $0xFFFFFFC0  }
0x153: {  	v2 =	vadd.f32 v15, v2;
	v5 =	vadd.f32 v46, v5;
	_ =	swait.ge [sflag:s11], $0x40  }
0x154: {  	v6 =	vadd.f32 v30, v6;
	v3 =	vadd.f32 v4, v3;
	[sflag:s11] =	ssyncset.done $0x0  }
0x155: {  	v2 =	vadd.f32 v16, v2;
	v4 =	vadd.f32 v47, v5;
	[sflag:s11] =	ssyncadd.s32 $0xFFFFFFC0  }
0x156: {  	v5 =	vadd.f32 v31, v6;
	v3 =	vadd.f32 v52, v3;
	_ =	swait.ge [sflag:s11], $0x40  }
0x157: {  	v2 =	vadd.f32 v18, v2;
	v4 =	vadd.f32 v48, v4;
	[sflag:s11] =	ssyncset.done $0x0  }
0x158: {  	s16 =	simm.s32 $0x0;
	v5 =	vadd.f32 v32, v5;
	v3 =	vadd.f32 v35, v3;
	[sflag:s11] =	ssyncadd.s32 $0xFFFFFFC0  }
0x159: {  	vm0 =	vlt.f32 v2, $0.0e+00;
	v4 =	vadd.f32 v49, v4;
	v6 =	vld [tilespmem:s16+$0x130]  }
0x15a: {  	vm1 =	vgt.f32 v2, $0.0e+00;
	v2 =	vadd.f32 v33, v5;
	v3 =	vadd.f32 v62, v3;
	v5 =	vld [tilespmem:s16+$0xF0]  }
0x15b: {  	vm0 =	vmor vm1, vm0;
	v4 =	vadd.f32 v50, v4;
	v7 =	vld [tilespmem:s16+$0xE0]  }
0x15c: {  	v8 =	vadd.f32 v34, v2;
	vm11 =	vlt.f32 v3, $0.0e+00;
	vm2 =	vgt.f32 v3, $0.0e+00;
	v9 =	vld [tilespmem:s16+$0x140]  }
0x15d: {  	vm1 =	vmor vm2, vm11;
	vm3 =	vlt.f32 v4, $0.0e+00;
	vm12 =	vgt.f32 v4, $0.0e+00;
	v10 =	vld [tilespmem:s16+$0x150]  }
0x15e: {  	v2 =	vsel vm1, $0x3F800000, v17;
	vm13 =	vlt.f32 v8, $0.0e+00;
	vm2 =	vmor vm12, vm3  }
0x15f: {  	v11 =	vld [tilespmem:s16+$0x160];
	vm14 =	vgt.f32 v8, $0.0e+00;
	v3 =	vsel vm2, $0x3F800000, v17;
	v8 =	vmul.f32 v5, v2  }
0x160: {  	v12 =	vld [tilespmem:s16+$0x180];
	vm15 =	vmor vm14, vm13;
	v7 =	vmul.f32 v7, v3  }
0x161: {  	v4 =	vsel vm0, $0x3F800000, v17;
	v13 =	vld [tilespmem:s16+$0x170];
	v5 =	vsel vm15, $0x3F800000, v17;
	v6 =	vmul.f32 v6, v2;
	[tilespmem:s16+$0xF0] =	vst v8  }
0x162: {  	v10 =	vmul.f32 v10, v5;
	v8 =	vmul.f32 v9, v4;
	v9 =	vld [tilespmem:s16+$0x190];
	[tilespmem:s16+$0xE0] =	vst v7  }
0x163: {  	v7 =	vld [tilespmem:s16+$0x20];
	[tilespmem:s16+$0x130] =	vst v6  }
0x164: {  	v6 =	vld [tilespmem:s16+$0x50];
	[tilespmem:s16+$0x150] =	vst v10  }
0x165: {  	v10 =	vld [tilespmem:s16+$0x40];
	[tilespmem:s16+$0x140] =	vst v8;
	v8 =	vmul.f32 v11, v3  }
0x166: {  	v13 =	vmul.f32 v13, v2;
	v11 =	vld [tilespmem:s16+$0x1A0]  }
0x167: {  	v12 =	vmul.f32 v12, v4;
	[tilespmem:s16+$0x160] =	vst v8;
	v8 =	vld [tilespmem:s16+$0x30]  }
0x168: {  	v14 =	vld [tilespmem:s16+$0x70];
	[tilespmem:s16+$0x170] =	vst v13;
	v9 =	vmul.f32 v9, v5  }
0x169: {  	v13 =	vld [tilespmem:s16+$0x60];
	[tilespmem:s16+$0x180] =	vst v12;
	v7 =	vmul.f32 v7, v3  }
0x16a: {  	v12 =	vmul.f32 v6, v5;
	[tilespmem:s16+$0x190] =	vst v9;
	v9 =	vmul.f32 v10, v4;
	v10 =	vld [tilespmem:s16+$0x80]  }
0x16b: {  	[tilespmem:s16+$0x20] =	vst v7;
	v6 =	vmul.f32 v11, v3;
	v11 =	vld [tilespmem:s16+$0xA0]  }
0x16c: {  	[tilespmem:s16+$0x50] =	vst v12;
	v7 =	vmul.f32 v8, v2;
	v8 =	vld [tilespmem:s16+$0x1B0]  }
0x16d: {  	s14 =	simm.s32 $0x80;
	s18 =	simm.s32 $0x100;
	[tilespmem:s16+$0x40] =	vst v9;
	v9 =	vld [tilespmem:s16+$0x90]  }
0x16e: {  	s19 =	simm.s32 $0x200;
	s17 =	simm.s32 $0x0;
	s15 =	simm.s32 $0x200;
	v13 =	vmul.f32 v13, v3;
	v12 =	vmul.f32 v14, v2;
	[tilespmem:s16+$0x30] =	vst v7;
	v7 =	vld [tilespmem:s16+$0x1D0]  }
.LBB2_6:
0x16f: {  	p0 =	sne.s32 s18, $0x380  }
0x170: {  	s19 =	sadd.s32 $0x200, s19;
	[tilespmem:s16+$0x60] =	vst v13;
	v10 =	vmul.f32 v10, v4;
	v13 =	vld [tilespmem:s16+$0x1C0];
	s20 =	smov.u32 s18;
	s18 =	sadd.s32 $0x80, s18  }
0x171: {  	v14 =	vld [tilespmem:s16+$0x0];
	[tilespmem:s16+$0x70] =	vst v12;
	v8 =	vmul.f32 v8, v2  }
0x172: {  	[tilespmem:s16+$0x80] =	vst v10;
	v9 =	vmul.f32 v9, v5;
	v10 =	vld [tilespmem:s16+$0x1F0]  }
0x173: {  	v12 =	vld [tilespmem:s16+$0xC0];
	[tilespmem:s16+$0x1B0] =	vst v8;
	v7 =	vmul.f32 v7, v5  }
0x174: {  	v8 =	vld [tilespmem:s16+$0x10];
	[tilespmem:s16+$0x90] =	vst v9;
	v9 =	vmul.f32 v11, v3  }
0x175: {  	v11 =	vld [tilespmem:s16+$0xB0];
	[tilespmem:s16+$0x1A0] =	vst v6;
	v6 =	vmul.f32 v13, v4  }
0x176: {  	v13 =	vmul.f32 v14, v4;
	[tilespmem:s16+$0xA0] =	vst v9;
	v9 =	vld [tilespmem:s16+$0xD0]  }
0x177: {  	[tilespmem:s16+$0x1C0] =	vst v6;
	v6 =	vld [tilespmem:s16+$0x1E0];
	v10 =	vmul.f32 v10, v2  }
0x178: {  	[tilespmem:s16+$0x0] =	vst v13;
	v12 =	vmul.f32 v12, v4;
	v13 =	vld [tilespmem:s16+$0x100]  }
0x179: {  	v8 =	vmul.f32 v8, v5;
	v14 =	vld [tilespmem:s16+$0x110];
	[tilespmem:s16+$0x1D0] =	vst v7  }
0x17a: {  	v7 =	vmul.f32 v11, v2;
	[tilespmem:s16+$0xC0] =	vst v12;
	v11 =	vld [tilespmem:s16+$0x120]  }
0x17b: {  	[tilespmem:s16+$0x10] =	vst v8;
	v8 =	vmul.f32 v9, v5  }
0x17c: {  	[tilespmem:s16+$0xB0] =	vst v7;
	v6 =	vmul.f32 v6, v3  }
0x17d: {  	[tilespmem:s16+$0xD0] =	vst v8;
	v7 =	vmul.f32 v13, v4  }
0x17e: {  	v8 =	vmul.f32 v14, v5;
	[tilespmem:s16+$0x1E0] =	vst v6  }
0x17f: {  	[tilespmem:s16+$0x100] =	vst v7;
	v6 =	vmul.f32 v11, v3  }
0x180: {  	[tilespmem:s16+$0x110] =	vst v8  }
0x181: {  	[tilespmem:s16+$0x120] =	vst v6  }
0x182: {  	s1 =	sadd.s32 s17, s6;
	s17 =	smov.u32 s14;
	s14 =	smov.u32 s20;
	[tilespmem:s16+$0x1F0] =	vst v10  }
0x183: {  	[hbm4b:s1+s7] =	stream.strided.scatter [tilespmem:s16], [sflag:$0x2], $0x200, s12, s7, $0x38;
	[tilespmem:$0x4400] =	vst v63  }
0x184: {  	s16 =	smov.u32 s15;
	s15 =	smov.u32 s19;
	_ =	swait.ge [sflag:s11], $0x40  }
0x185: {  	[sflag:s11] =	ssyncset.done $0x0  }
0x186: {  	[sflag:s11] =	ssyncadd.s32 $0xFFFFFFC0  }
0x187: {  	_ =	swait.ge [sflag:s11], $0x40  }
0x188: {  	[sflag:s11] =	ssyncset.done $0x0  }
0x189: {  	[sflag:s11] =	ssyncadd.s32 $0xFFFFFFC0  }
0x18a: {  	_ =	swait.ge [sflag:s11], $0x40  }
0x18b: {  	[sflag:s11] =	ssyncset.done $0x0  }
0x18c: {  	[sflag:s11] =	ssyncadd.s32 $0xFFFFFFC0  }
0x18d: {  	_ =	swait.ge [sflag:s11], $0x40  }
0x18e: {  	[sflag:s11] =	ssyncset.done $0x0  }
0x18f: {  	[sflag:s11] =	ssyncadd.s32 $0xFFFFFFC0  }
0x190: {  	_ =	swait.ge [sflag:s11], $0x40  }
0x191: {  	[sflag:s11] =	ssyncset.done $0x0  }
0x192: {  	[sflag:s11] =	ssyncadd.s32 $0xFFFFFFC0  }
0x193: {  	_ =	swait.ge [sflag:s11], $0x40  }
0x194: {  	[sflag:s11] =	ssyncset.done $0x0  }
0x195: {  	[sflag:s11] =	ssyncadd.s32 $0xFFFFFFC0  }
0x196: {  	_ =	swait.ge [sflag:s11], $0x40  }
0x197: {  	[sflag:s11] =	ssyncset.done $0x0  }
0x198: {  	[sflag:s11] =	ssyncadd.s32 $0xFFFFFFC0  }
0x199: {  	_ =	swait.ge [sflag:s11], $0x40  }
0x19a: {  	[sflag:s11] =	ssyncset.done $0x0  }
0x19b: {  	[sflag:s11] =	ssyncadd.s32 $0xFFFFFFC0  }
0x19c: {  	v6 =	vld [tilespmem:s16+$0x130]  }
0x19d: {  	v7 =	vld [tilespmem:s16+$0xF0]  }
0x19e: {  	v8 =	vld [tilespmem:s16+$0xE0]  }
0x19f: {  	v9 =	vld [tilespmem:s16+$0x140]  }
0x1a0: {  	v10 =	vld [tilespmem:s16+$0x150]  }
0x1a1: {  	v11 =	vld [tilespmem:s16+$0x160]  }
0x1a2: {  	v7 =	vmul.f32 v7, v2;
	v12 =	vld [tilespmem:s16+$0x180]  }
0x1a3: {  	v6 =	vmul.f32 v6, v2;
	v8 =	vmul.f32 v8, v3;
	v13 =	vld [tilespmem:s16+$0x170]  }
0x1a4: {  	[tilespmem:s16+$0xF0] =	vst v7;
	v7 =	vmul.f32 v9, v4;
	v9 =	vld [tilespmem:s16+$0x190]  }
0x1a5: {  	v14 =	vld [tilespmem:s16+$0x20];
	[tilespmem:s16+$0xE0] =	vst v8;
	v8 =	vmul.f32 v10, v5  }
0x1a6: {  	[tilespmem:s16+$0x140] =	vst v7;
	v7 =	vmul.f32 v11, v3;
	v10 =	vld [tilespmem:s16+$0x1A0]  }
0x1a7: {  	v11 =	vld [tilespmem:s16+$0x40];
	[tilespmem:s16+$0x150] =	vst v8;
	v8 =	vmul.f32 v12, v4  }
0x1a8: {  	v12 =	vld [tilespmem:s16+$0x30];
	[tilespmem:s16+$0x160] =	vst v7;
	v7 =	vmul.f32 v13, v2  }
0x1a9: {  	v13 =	vld [tilespmem:s16+$0x50];
	[tilespmem:s16+$0x130] =	vst v6;
	v6 =	vmul.f32 v9, v5  }
0x1aa: {  	v9 =	vmul.f32 v14, v3;
	v14 =	vld [tilespmem:s16+$0x60];
	[tilespmem:s16+$0x170] =	vst v7  }
0x1ab: {  	v15 =	vld [tilespmem:s16+$0x70];
	[tilespmem:s16+$0x190] =	vst v6;
	v6 =	vmul.f32 v10, v3  }
.Ltmp2:
0x1ac: {  	[tilespmem:s16+$0x20] =	vst v9;
	v7 =	vmul.f32 v11, v4;
	v10 =	vld [tilespmem:s16+$0x80];
	(pc) =	sbr.rel @p0 .LBB2_6-.Ltmp2, $4  }
0x1ad: {  	v11 =	vmul.f32 v12, v2;
	[tilespmem:s16+$0x180] =	vst v8;
	v8 =	vld [tilespmem:s16+$0x1B0]  }
0x1ae: {  	[tilespmem:s16+$0x40] =	vst v7;
	v12 =	vmul.f32 v13, v5;
	v9 =	vld [tilespmem:s16+$0x90]  }
0x1af: {  	[tilespmem:s16+$0x30] =	vst v11;
	v13 =	vmul.f32 v14, v3;
	v7 =	vld [tilespmem:s16+$0x1D0]  }
0x1b0: {  	[tilespmem:s16+$0x50] =	vst v12;
	v12 =	vmul.f32 v15, v2;
	v11 =	vld [tilespmem:s16+$0xA0]  }
0x1b1: {  	[tilespmem:s16+$0x60] =	vst v13  }
0x1b2: {  	v10 =	vmul.f32 v10, v4;
	v36 =	vld [tilespmem:s16+$0x1C0];
	[tilespmem:s16+$0x1A0] =	vst v6  }
0x1b3: {  	v37 =	vld [tilespmem:s16+$0x0];
	[tilespmem:s16+$0x70] =	vst v12;
	v8 =	vmul.f32 v8, v2  }
0x1b4: {  	v38 =	vld [tilespmem:s16+$0xC0];
	[tilespmem:s16+$0x80] =	vst v10;
	v9 =	vmul.f32 v9, v5  }
0x1b5: {  	v39 =	vld [tilespmem:s16+$0x10];
	[tilespmem:s16+$0x1B0] =	vst v8;
	v46 =	vmul.f32 v7, v5  }
0x1b6: {  	v41 =	vld [tilespmem:s16+$0xB0];
	[tilespmem:s16+$0x90] =	vst v9;
	v40 =	vmul.f32 v11, v3  }
0x1b7: {  	v45 =	vld [tilespmem:s16+$0xD0];
	v42 =	vmul.f32 v36, v4;
	[tilespmem:s16+$0x1D0] =	vst v46  }
0x1b8: {  	v47 =	vld [tilespmem:s16+$0x1E0];
	v44 =	vmul.f32 v37, v4;
	[tilespmem:s16+$0xA0] =	vst v40  }
0x1b9: {  	v49 =	vld [tilespmem:s16+$0x100];
	v48 =	vmul.f32 v38, v4;
	[tilespmem:s16+$0x1C0] =	vst v42  }
0x1ba: {  	v14 =	vld [tilespmem:s16+$0x110];
	v8 =	vmul.f32 v39, v5;
	[tilespmem:s16+$0x0] =	vst v44  }
0x1bb: {  	v51 =	vld [tilespmem:s16+$0x120];
	v50 =	vmul.f32 v41, v2;
	[tilespmem:s16+$0xC0] =	vst v48  }
0x1bc: {  	v43 =	vld [tilespmem:s16+$0x1F0];
	v52 =	vmul.f32 v45, v5;
	[tilespmem:s16+$0x10] =	vst v8  }
0x1bd: {  	v53 =	vmul.f32 v47, v3;
	[tilespmem:s16+$0xB0] =	vst v50  }
0x1be: {  	v54 =	vmul.f32 v49, v4;
	[tilespmem:s16+$0xD0] =	vst v52  }
0x1bf: {  	v55 =	vmul.f32 v14, v5;
	[tilespmem:s16+$0x1E0] =	vst v53  }
0x1c0: {  	v56 =	vmul.f32 v51, v3;
	[tilespmem:s16+$0x100] =	vst v54  }
0x1c1: {  	v57 =	vmul.f32 v43, v2;
	[tilespmem:s16+$0x110] =	vst v55  }
0x1c2: {  	[tilespmem:s16+$0x120] =	vst v56  }
0x1c3: {  	s1 =	sadd.s32 s17, s6;
	[tilespmem:s16+$0x1F0] =	vst v57  }
0x1c4: {  	[hbm4b:s1+s7] =	stream.strided.scatter [tilespmem:s16], [sflag:$0x2], $0x200, s12, s7, $0x38;
	[tilespmem:$0x4400] =	vst v63  }
0x1c5: {  	_ =	swait.ge [sflag:s11], $0x40  }
0x1c6: {  	[sflag:s11] =	ssyncset.done $0x0  }
0x1c7: {  	[sflag:s11] =	ssyncadd.s32 $0xFFFFFFC0  }
0x1c8: {  	_ =	swait.ge [sflag:s11], $0x40  }
0x1c9: {  	[sflag:s11] =	ssyncset.done $0x0  }
0x1ca: {  	[sflag:s11] =	ssyncadd.s32 $0xFFFFFFC0  }
0x1cb: {  	_ =	swait.ge [sflag:s11], $0x40  }
0x1cc: {  	[sflag:s11] =	ssyncset.done $0x0  }
0x1cd: {  	[sflag:s11] =	ssyncadd.s32 $0xFFFFFFC0  }
0x1ce: {  	_ =	swait.ge [sflag:s11], $0x40  }
0x1cf: {  	[sflag:s11] =	ssyncset.done $0x0  }
0x1d0: {  	[sflag:s11] =	ssyncadd.s32 $0xFFFFFFC0  }
0x1d1: {  	_ =	swait.ge [sflag:s11], $0x40  }
0x1d2: {  	[sflag:s11] =	ssyncset.done $0x0  }
0x1d3: {  	[sflag:s11] =	ssyncadd.s32 $0xFFFFFFC0  }
0x1d4: {  	_ =	swait.ge [sflag:s11], $0x40  }
0x1d5: {  	[sflag:s11] =	ssyncset.done $0x0  }
0x1d6: {  	[sflag:s11] =	ssyncadd.s32 $0xFFFFFFC0  }
0x1d7: {  	_ =	swait.ge [sflag:s11], $0x40  }
0x1d8: {  	[sflag:s11] =	ssyncset.done $0x0  }
0x1d9: {  	[sflag:s11] =	ssyncadd.s32 $0xFFFFFFC0  }
0x1da: {  	_ =	swait.ge [sflag:s11], $0x40  }
0x1db: {  	[sflag:s11] =	ssyncset.done $0x0  }
0x1dc: {  	[sflag:s11] =	ssyncadd.s32 $0xFFFFFFC0  }
0x1dd: {  	v59 =	vld [tilespmem:s15+$0xF0]  }
0x1de: {  	v60 =	vld [tilespmem:s15+$0xE0]  }
0x1df: {  	v61 =	vld [tilespmem:s15+$0x140]  }
0x1e0: {  	v62 =	vld [tilespmem:s15+$0x150]  }
0x1e1: {  	v63 =	vld [tilespmem:s15+$0x160]  }
0x1e2: {  	v21 =	vld [tilespmem:s15+$0x170];
	v7 =	vmul.f32 v59, v2  }
0x1e3: {  	v22 =	vld [tilespmem:s15+$0x190];
	v8 =	vmul.f32 v60, v3  }
0x1e4: {  	v20 =	vld [tilespmem:s15+$0x180];
	v23 =	vmul.f32 v61, v4;
	[tilespmem:s15+$0xF0] =	vst v7  }
0x1e5: {  	v24 =	vld [tilespmem:s15+$0x20];
	v25 =	vmul.f32 v62, v5;
	[tilespmem:s15+$0xE0] =	vst v8  }
0x1e6: {  	v28 =	vld [tilespmem:s15+$0x40];
	v27 =	vmul.f32 v63, v3;
	[tilespmem:s15+$0x140] =	vst v23  }
0x1e7: {  	v31 =	vld [tilespmem:s15+$0x60];
	v13 =	vmul.f32 v21, v2;
	[tilespmem:s15+$0x150] =	vst v25  }
0x1e8: {  	v32 =	vld [tilespmem:s15+$0x70];
	v14 =	vmul.f32 v22, v5;
	[tilespmem:s15+$0x160] =	vst v27  }
0x1e9: {  	v33 =	vld [tilespmem:s15+$0x80];
	v12 =	vmul.f32 v20, v4;
	[tilespmem:s15+$0x170] =	vst v13  }
0x1ea: {  	v34 =	vld [tilespmem:s15+$0x1B0];
	v9 =	vmul.f32 v24, v3;
	[tilespmem:s15+$0x190] =	vst v14  }
0x1eb: {  	v35 =	vld [tilespmem:s15+$0x90];
	v11 =	vmul.f32 v28, v4;
	[tilespmem:s15+$0x180] =	vst v12  }
0x1ec: {  	v26 =	vld [tilespmem:s15+$0x1A0];
	v36 =	vmul.f32 v31, v3;
	[tilespmem:s15+$0x20] =	vst v9  }
0x1ed: {  	v38 =	vld [tilespmem:s15+$0xA0];
	v37 =	vmul.f32 v32, v2;
	[tilespmem:s15+$0x40] =	vst v11  }
0x1ee: {  	v40 =	vld [tilespmem:s15+$0x1C0];
	v39 =	vmul.f32 v33, v4;
	[tilespmem:s15+$0x60] =	vst v36  }
0x1ef: {  	v58 =	vld [tilespmem:s15+$0x130];
	v42 =	vmul.f32 v34, v2;
	[tilespmem:s15+$0x70] =	vst v37  }
0x1f0: {  	v43 =	vld [tilespmem:s15+$0x0];
	v44 =	vmul.f32 v35, v5;
	[tilespmem:s15+$0x80] =	vst v39  }
0x1f1: {  	v41 =	vld [tilespmem:s15+$0x1D0];
	v10 =	vmul.f32 v26, v3;
	[tilespmem:s15+$0x1B0] =	vst v42  }
0x1f2: {  	v45 =	vld [tilespmem:s15+$0xC0];
	v47 =	vmul.f32 v38, v3;
	[tilespmem:s15+$0x90] =	vst v44  }
0x1f3: {  	v48 =	vld [tilespmem:s15+$0xB0];
	v49 =	vmul.f32 v40, v4;
	[tilespmem:s15+$0x1A0] =	vst v10  }
0x1f4: {  	v52 =	vld [tilespmem:s15+$0xD0];
	v6 =	vmul.f32 v58, v2;
	[tilespmem:s15+$0xA0] =	vst v47  }
0x1f5: {  	v54 =	vld [tilespmem:s15+$0x1E0];
	v51 =	vmul.f32 v43, v4;
	[tilespmem:s15+$0x1C0] =	vst v49  }
0x1f6: {  	v56 =	vld [tilespmem:s15+$0x100];
	v53 =	vmul.f32 v41, v5;
	[tilespmem:s15+$0x130] =	vst v6  }
0x1f7: {  	v57 =	vld [tilespmem:s15+$0x110];
	v55 =	vmul.f32 v45, v4;
	[tilespmem:s15+$0x0] =	vst v51  }
0x1f8: {  	v29 =	vld [tilespmem:s15+$0x30];
	v58 =	vmul.f32 v48, v2;
	[tilespmem:s15+$0x1D0] =	vst v53  }
0x1f9: {  	v30 =	vld [tilespmem:s15+$0x50];
	v60 =	vmul.f32 v52, v5;
	[tilespmem:s15+$0xC0] =	vst v55  }
0x1fa: {  	v50 =	vld [tilespmem:s15+$0x1F0];
	v61 =	vmul.f32 v54, v3;
	[tilespmem:s15+$0xB0] =	vst v58  }
0x1fb: {  	v46 =	vld [tilespmem:s15+$0x10];
	v62 =	vmul.f32 v56, v4;
	[tilespmem:s15+$0xD0] =	vst v60  }
0x1fc: {  	v59 =	vld [tilespmem:s15+$0x120];
	v63 =	vmul.f32 v57, v5;
	[tilespmem:s15+$0x1E0] =	vst v61  }
0x1fd: {  	v8 =	vmul.f32 v29, v2;
	[tilespmem:s15+$0x100] =	vst v62  }
0x1fe: {  	v7 =	vmul.f32 v30, v5;
	[tilespmem:s15+$0x110] =	vst v63  }
0x1ff: {  	v2 =	vmul.f32 v50, v2;
	[tilespmem:s15+$0x30] =	vst v8  }
0x200: {  	[tilespmem:s15+$0x50] =	vst v7;
	v7 =	vmul.f32 v46, v5  }
0x201: {  	[tilespmem:s15+$0x1F0] =	vst v2;
	v3 =	vmul.f32 v59, v3  }
0x202: {  	[tilespmem:s15+$0x10] =	vst v7  }
0x203: {  	s31 =	sadd.s32 s14, s6;
	[tilespmem:s15+$0x120] =	vst v3  }
0x204: {  	[hbm4b:s31+s7] =	stream.strided.scatter [tilespmem:s15], [sflag:$0x2], $0x200, s12, s7, $0x38;
	[tilespmem:$0x4400] =	vst v63  }
0x205: {  	_ =	swait.ge [sflag:s13], $0x200  }
0x206: {  	[sflag:s13] =	ssyncset.done $0x0  }
0x207: {  	[sflag:s13] =	ssyncadd.s32 $0xFFFFFE00  }
0x208: {  	_ =	swait.ge [sflag:s13], $0x200  }
0x209: {  	[sflag:s13] =	ssyncset.done $0x0  }
0x20a: {  	[sflag:s13] =	ssyncadd.s32 $0xFFFFFE00  }
0x20b: {  	_ =	swait.ge [sflag:s13], $0x200  }
0x20c: {  	[sflag:s13] =	ssyncset.done $0x0  }
0x20d: {  	[sflag:s13] =	ssyncadd.s32 $0xFFFFFE00  }
0x20e: {  	_ =	swait.ge [sflag:s13], $0x200  }
0x20f: {  	[sflag:s13] =	ssyncset.done $0x0  }
0x210: {  	[sflag:s13] =	ssyncadd.s32 $0xFFFFFE00  }
0x211: {  	_ =	swait.ge [sflag:s13], $0x200  }
0x212: {  	[sflag:s13] =	ssyncset.done $0x0  }
0x213: {  	[sflag:s13] =	ssyncadd.s32 $0xFFFFFE00  }
0x214: {  	_ =	swait.ge [sflag:s13], $0x200  }
0x215: {  	[sflag:s13] =	ssyncset.done $0x0  }
0x216: {  	s2 =	sadd.s32 $0x1, s2;
	[sflag:s13] =	ssyncadd.s32 $0xFFFFFE00  }
0x217: {  	p0 =	sne.s32 s2, s5;
	_ =	swait.ge [sflag:s13], $0x200  }
.Ltmp3:
0x218: {  	[sflag:s13] =	ssyncset.done $0x0;
	(pc) =	sbr.rel @p0 .LBB2_1-.Ltmp3, $4  }
0x219: {  	[sflag:s13] =	ssyncadd.s32 $0xFFFFFE00  }
0x21a: {  	_ =	swait.ge [sflag:s13], $0x200  }
0x21b: {  	[sflag:s13] =	ssyncset.done $0x0  }
0x21c: {  	[sflag:s13] =	ssyncadd.s32 $0xFFFFFE00  }
0x21d: {  	_ =	sfence.sel $0x180000  }
0x21e: {  	[bflag:$0x0] =	sbarrier.arrive $0xFFFF  }
0x21f: {  	_ =	strace $0x90000047  }
0x220: {  	s0 =	stileid.u32;
	[bflag:$0x2] =	sbarrier.arrive $0xFFFF  }
0x221: {  	p0 =	sne.s32 s0, $0x0;
	s0 =	rddreg [dreg:$0x3]  }
0x222: {  	s0 =	sadd.s32 @!p0 $0x100000, s0  }
0x223: {  	[sflag:s0] =	ssyncadd.tile.s32 @!p0 $0x1;
	_ =	shalt  }
.Lfunc_end2:
_tile_overlayer_lowered:
.L_overlay_start_2:
0x224: {  	(tag) =	ssettag $0x2  }
0x225: {  	s0 =	rddreg [dreg:$0x0];
	s2 =	stileid.u32  }
0x226: {  	s1 =	rddreg [dreg:$0x1];
	p0 =	sne.s32 s2, $0x0  }
0x227: {  	s3 =	rddreg [dreg:$0x2];
	[bflag:$0x3] =	sbarrier.arrive $0xFFFF;
	s2 =	simm.s32 @!p0 $0x1C03  }
0x228: {  	[timem:s3], [sflag:s2] =	dma.local @!p0 [hbm:s0], s1  }
0x229: {  	s0 =	simm.s32 @!p0 $0x3  }
0x22a: {  	_ =	swait.ge @!p0 [sflag:s0], s1  }
0x22b: {  	s1 =	ssub.s32 @!p0 $0x0, s1;
	[sflag:s0] =	ssyncset.done @!p0 $0x0  }
0x22c: {  	[sflag:s0] =	ssyncadd.s32 @!p0 s1  }
0x22d: {  	[bflag:$0x3] =	sbarrier.arrive $0xFFFF  }
0x22e: {  	_ =	shalt  }

</sc_bundles>
